<compile_context>
chip_gen: v7x
topology: tpu7x:2x2x1
jax: 0.10.2.dev20260603
libtpu: 0.0.44.dev20260713+nightly
codegen_flags: <defaults>
</compile_context>

<pallas_src>
import jax
import jax.numpy as jnp
from jax import lax
from jax.experimental import pallas as pl
from jax.experimental.pallas import tpu as pltpu
from jax.experimental.pallas import tpu_sc as plsc

_N = 32768
_NV = _N // 16
_NC = 2
_NW = 32
_ROWS_PER_W = 2
_SC_ROWS = _NW * _ROWS_PER_W
_TC_ROWS = 128 - _SC_ROWS
_TC_BLOCK = 8
_U = 4
_US = 4


def _sc_body(x_hbm, k_hbm, val_hbm, idx_hbm,
             xrow, ubuf, hist1, hist2, colsum2, hist3, colsum3,
             kbuf, resv, resi):
    imin = jnp.int32(-2147483648)
    lane = lax.iota(jnp.int32, 16)
    c31 = jnp.full((16,), 31, jnp.int32)
    cimin = jnp.full((16,), imin, jnp.int32)
    ones = jnp.ones((16,), jnp.int32)
    zeros16 = jnp.zeros((16,), jnp.int32)

    wid = lax.axis_index("s") * _NC + lax.axis_index("c")

    pltpu.sync_copy(k_hbm, kbuf)
    kv = kbuf[...]

    def zinit(i, c):
        hist1[pl.ds(i * 16, 16)] = zeros16
        hist2[pl.ds(i * 16, 16)] = zeros16
        colsum2[pl.ds(i * 16, 16)] = zeros16
        return c
    lax.fori_loop(0, 128, zinit, 0)

    def scan_hist(href, csref, nbins, kcur, zero_after):
        def body(i, carry):
            tot_carry, b_acc, cb_acc, cnt_acc, col_acc = carry
            for j in range(_US):
                ii = i * _US + j
                hv = href[pl.ds(ii * 16, 16)]
                if csref is not None:
                    cv = csref[pl.ds(ii * 16, 16)]
                if zero_after:
                    href[pl.ds(ii * 16, 16)] = zeros16
                    if csref is not None:
                        csref[pl.ds(ii * 16, 16)] = zeros16
                cs = plsc.cumsum(hv)
                tot = cs + tot_carry
                excl = tot - hv
                sel = (tot >= kcur) & (excl < kcur)
                gidx = lane + ii * 16
                b_acc = b_acc + jnp.where(sel, gidx, 0)
                cb_acc = cb_acc + jnp.where(sel, excl, 0)
                cnt_acc = cnt_acc + jnp.where(sel, hv, 0)
                if csref is not None:
                    col_acc = col_acc + jnp.where(sel, cv, 0)
                tot_carry = tot_carry + jnp.max(cs)
            return tot_carry, b_acc, cb_acc, cnt_acc, col_acc
        _, b_acc, cb_acc, cnt_acc, col_acc = lax.fori_loop(
            0, nbins // (16 * _US), body, (zeros16,) * 5)
        return (jnp.max(b_acc), jnp.max(cb_acc), jnp.max(cnt_acc),
                jnp.max(col_acc))

    def row_body(r, accs):
        val_acc, idx_acc = accs
        with jax.named_scope("dma_row"):
            pltpu.sync_copy(x_hbm.at[wid * _ROWS_PER_W + r], xrow)

        def p1(i, c):
            for j in range(_U):
                ii = i * _U + j
                xv = xrow[pl.ds(ii * 16, 16)]
                b = lax.bitcast_convert_type(xv, jnp.int32)
                asr = lax.shift_right_arithmetic(b, c31)
                u = lax.bitwise_xor(b, lax.bitwise_or(asr, cimin))
                ubuf[pl.ds(ii * 16, 16)] = u
                plsc.addupdate_scatter(
                    hist1, [lax.shift_right_logical(u, 21)], ones)
            return c
        with jax.named_scope("p1"):
            lax.fori_loop(0, _NV // _U, p1, 0)
        with jax.named_scope("scan1"):
            b1, cb1, cnt1, _ = scan_hist(hist1, None, 2048, kv, True)
        k2 = kv - cb1

        def p2(i, c):
            for j in range(_U):
                ii = i * _U + j
                u = ubuf[pl.ds(ii * 16, 16)]
                d1 = lax.shift_right_logical(u, 21)
                d2 = lax.bitwise_and(lax.shift_right_logical(u, 10), 0x7FF)
                m = d1 == b1
                colv = lane + ii * 16
                plsc.addupdate_scatter(hist2, [d2], ones, mask=m)
                plsc.addupdate_scatter(colsum2, [d2], colv, mask=m)
            return c
        with jax.named_scope("p2"):
            lax.fori_loop(0, _NV // _U, p2, 0)
        with jax.named_scope("scan2"):
            b2, cb2, cnt2, col2 = scan_hist(hist2, colsum2, 2048, k2, True)
        k3 = k2 - cb2

        def fast_case(_):
            uv = plsc.load_gather(ubuf, [jnp.broadcast_to(col2, (16,))])
            return uv, col2

        def slow_case(_):
            def z3(i, c):
                hist3[pl.ds(i * 16, 16)] = zeros16
                colsum3[pl.ds(i * 16, 16)] = zeros16
                return c
            lax.fori_loop(0, 64, z3, 0)

            def p3(i, c):
                for j in range(_U):
                    ii = i * _U + j
                    u = ubuf[pl.ds(ii * 16, 16)]
                    d1 = lax.shift_right_logical(u, 21)
                    d2 = lax.bitwise_and(
                        lax.shift_right_logical(u, 10), 0x7FF)
                    d3 = lax.bitwise_and(u, 0x3FF)
                    m = (d1 == b1) & (d2 == b2)
                    colv = lane + ii * 16
                    plsc.addupdate_scatter(hist3, [d3], ones, mask=m)
                    plsc.addupdate_scatter(colsum3, [d3], colv, mask=m)
                return c
            lax.fori_loop(0, _NV // _U, p3, 0)
            b3, cb3, cnt3, col3 = scan_hist(hist3, colsum3, 1024, k3, False)
            ustar = lax.bitwise_or(
                lax.bitwise_or(lax.shift_left(b1, 21), lax.shift_left(b2, 10)),
                b3)
            ustar_v = jnp.broadcast_to(ustar, (16,))

            def tie_case(_):
                m0 = k3 - cb3 - 1

                def lbody(i, carry):
                    eqcnt, ans = carry
                    u = ubuf[pl.ds(i * 16, 16)]
                    meq = u == ustar_v
                    csv = plsc.cumsum(meq.astype(jnp.int32))
                    sel = meq & ((csv + eqcnt) == (m0 + 1))
                    colv = lane + i * 16
                    ans = jnp.maximum(ans, jnp.where(sel, colv, -1))
                    eqcnt = eqcnt + plsc.all_reduce_population_count(meq)
                    return eqcnt, ans
                _, ans = lax.fori_loop(
                    0, _NV, lbody,
                    (zeros16, jnp.full((16,), -1, jnp.int32)))
                return jnp.max(ans)

            col = lax.cond(cnt3 == 1, lambda _: col3, tie_case, 0)
            return ustar_v, col

        with jax.named_scope("resolve"):
            uv, col = lax.cond(cnt2 == 1, fast_case, slow_case, 0)
        bits_v = jnp.where(uv < 0, lax.bitwise_xor(uv, cimin),
                           lax.bitwise_not(uv))
        val_v = lax.bitcast_convert_type(bits_v, jnp.float32)
        val_acc = jnp.where(lane == r, val_v, val_acc)
        idx_acc = jnp.where(lane == r, col, idx_acc)
        return val_acc, idx_acc

    val_acc, idx_acc = lax.fori_loop(
        0, _ROWS_PER_W, row_body,
        (jnp.zeros((16,), jnp.float32), jnp.zeros((16,), jnp.int32)))

    resv[...] = val_acc
    resi[...] = idx_acc
    pltpu.sync_copy(resv, val_hbm.at[wid])
    pltpu.sync_copy(resi, idx_hbm.at[wid])


def _kth_select_sc(x, k_arr):
    mesh = plsc.VectorSubcoreMesh(core_axis_name="c", subcore_axis_name="s")
    f = pl.kernel(
        _sc_body,
        out_type=[
            jax.ShapeDtypeStruct((_NW, 16), jnp.float32),
            jax.ShapeDtypeStruct((_NW, 16), jnp.int32),
        ],
        mesh=mesh,
        compiler_params=pltpu.CompilerParams(needs_layout_passes=False),
        scratch_types=[
            pltpu.VMEM((_N,), jnp.float32),
            pltpu.VMEM((_N,), jnp.int32),
            pltpu.VMEM((2048,), jnp.int32),
            pltpu.VMEM((2048,), jnp.int32),
            pltpu.VMEM((2048,), jnp.int32),
            pltpu.VMEM((1024,), jnp.int32),
            pltpu.VMEM((1024,), jnp.int32),
            pltpu.VMEM((16,), jnp.int32),
            pltpu.VMEM((16,), jnp.float32),
            pltpu.VMEM((16,), jnp.int32),
        ],
    )
    return f(x, k_arr)




def _tc_select_body(k_ref, x_ref, val_ref, idx_ref):
    _INT_MIN = jnp.int32(-2147483648)
    xb = x_ref[...]
    b = lax.bitcast_convert_type(xb, jnp.int32)
    asr = lax.shift_right_arithmetic(b, jnp.int32(31))
    u = lax.bitwise_xor(b, lax.bitwise_or(asr, _INT_MIN))
    s = lax.bitwise_xor(u, _INT_MIN)
    k = k_ref[0]

    def val_step(it, p):
        j = 31 - it
        c_u = lax.bitwise_or(p, lax.shift_left(jnp.int32(1), j) - 1)
        c_s = lax.bitwise_xor(c_u, _INT_MIN)
        cnt = jnp.sum((s <= c_s).astype(jnp.int32), axis=1, keepdims=True)
        bit = lax.shift_left(jnp.int32(1), j)
        return jnp.where(cnt >= k, p, lax.bitwise_or(p, bit))

    p = lax.fori_loop(0, 32, val_step, jnp.zeros((_TC_BLOCK, 1), jnp.int32))

    s_star = lax.bitwise_xor(p, _INT_MIN)
    eq = s == s_star
    cnt_less = jnp.sum((s < s_star).astype(jnp.int32), axis=1, keepdims=True)
    m1 = k - cnt_less
    cols = lax.broadcasted_iota(jnp.int32, (_TC_BLOCK, _N), 1)

    def cheap_idx(_):
        return jnp.min(jnp.where(eq, cols, jnp.int32(1 << 30)), axis=1,
                       keepdims=True)

    def full_idx(_):
        def idx_step(it, q):
            j = 14 - it
            c_col = lax.bitwise_or(q, lax.shift_left(jnp.int32(1), j) - 1)
            cnt2 = jnp.sum((eq & (cols <= c_col)).astype(jnp.int32), axis=1,
                           keepdims=True)
            bit = lax.shift_left(jnp.int32(1), j)
            return jnp.where(cnt2 >= m1, q, lax.bitwise_or(q, bit))
        return lax.fori_loop(0, 15, idx_step,
                             jnp.zeros((_TC_BLOCK, 1), jnp.int32))

    q = lax.cond(jnp.all(m1 == 1), cheap_idx, full_idx, 0)

    bits = jnp.where(p < 0, lax.bitwise_xor(p, _INT_MIN), lax.bitwise_not(p))
    val_ref[...] = lax.bitcast_convert_type(bits, jnp.float32)
    idx_ref[...] = q


def _kth_select_tc(x, k_arr):
    nb = _TC_ROWS // _TC_BLOCK
    off = _SC_ROWS // _TC_BLOCK
    return pl.pallas_call(
        _tc_select_body,
        grid=(nb,),
        in_specs=[
            pl.BlockSpec(memory_space=pltpu.SMEM),
            pl.BlockSpec((_TC_BLOCK, _N), lambda i: (i + off, 0)),
        ],
        out_specs=[
            pl.BlockSpec((_TC_BLOCK, 1), lambda i: (i, 0)),
            pl.BlockSpec((_TC_BLOCK, 1), lambda i: (i, 0)),
        ],
        out_shape=[
            jax.ShapeDtypeStruct((_TC_ROWS, 1), jnp.float32),
            jax.ShapeDtypeStruct((_TC_ROWS, 1), jnp.int32),
        ],
    )(k_arr, x)

def kernel(x, k, dim, keepdim, values, indices):
    k_arr = jnp.full((16,), jnp.asarray(k, jnp.int32))
    vals, idxs = _kth_select_sc(x, k_arr)
    tc_vals, tc_idxs = _kth_select_tc(x, k_arr[:1])
    kth_val = jnp.concatenate(
        [vals[:, :_ROWS_PER_W].reshape(_SC_ROWS, 1), tc_vals], axis=0)
    kth_idx = jnp.concatenate(
        [idxs[:, :_ROWS_PER_W].reshape(_SC_ROWS, 1), tc_idxs], axis=0)
    zero = (jnp.asarray(dim, jnp.int32) - 1) + (
        jnp.asarray(keepdim).astype(jnp.int32) - 1)
    kth_val = (kth_val + zero.astype(kth_val.dtype)).astype(values.dtype)
    kth_idx = (kth_idx + zero).astype(indices.dtype)
    return kth_val, kth_idx

# --- scband reference (transcript-rebuilt; emitter-appended) ---
"""Pipeline reference for scband-torch-ops-aten-kthvalue-values-module-53987738911034 (READ-ONLY COPY).

The authoritative reference and input builder live on the scoring server;
editing this copy changes nothing except your own understanding.
"""

import jax, jax.numpy as jnp
import numpy as np


def setup_inputs(seed: int = 0) -> dict:
    key = jax.random.key(seed)
    x = jax.random.normal(key, (128, 32768), dtype=jnp.float32)
    values = jnp.zeros((128, 1), dtype=jnp.float32)
    indices = jnp.zeros((128, 1), dtype=jnp.int32)
    return {
        "x": x,
        "k": 16384,
        "dim": 1,
        "keepdim": True,
        "values": values,
        "indices": indices,
    }


def reference(x, k, dim, keepdim, values, indices):
    # torch.ops.aten.kthvalue.values: k-th SMALLEST value along `dim` (k is 1-indexed),
    # writing results into the provided out buffers (values, indices).
    axis = x.ndim - 1
    order = jnp.argsort(x, axis=axis)
    sorted_x = jnp.sort(x, axis=axis)
    kth_val = jnp.take(sorted_x, k - 1, axis=axis)
    kth_idx = jnp.take(order, k - 1, axis=axis)
    kth_val = jnp.expand_dims(kth_val, axis)
    kth_idx = jnp.expand_dims(kth_idx, axis)
    zero = (jnp.asarray(dim, dtype=jnp.int32) - 1) + (
        jnp.asarray(keepdim).astype(jnp.int32) - 1
    )
    kth_val = kth_val + zero.astype(kth_val.dtype)
    kth_idx = kth_idx + zero
    # emulate out= semantics by producing tensors with the out buffers' dtypes
    kth_val = kth_val.astype(values.dtype)
    kth_idx = kth_idx.astype(indices.dtype)
    return kth_val, kth_idx

if __name__ == "__main__":
    import jax
    _d = setup_inputs()
    print(jax.jit(kernel)(*tuple(_d.values())))

</pallas_src>

<mosaic_0001>
#map = affine_map<(d0, d1) -> (0, 0)>
#map1 = affine_map<(d0, d1) -> (0)>
module attributes {stable_mosaic.version = 14 : i64} {
  func.func @_sc_body(%arg0: i32, %arg1: i32, %arg2: memref<128x32768xf32, #tpu.memory_space<hbm>>, %arg3: memref<16xi32, #tpu.memory_space<hbm>>, %arg4: memref<32x16xf32, #tpu.memory_space<hbm>>, %arg5: memref<32x16xi32, #tpu.memory_space<hbm>>, %arg6: memref<32768xf32, #tpu.memory_space<vmem>>, %arg7: memref<32768xi32, #tpu.memory_space<vmem>>, %arg8: memref<2048xi32, #tpu.memory_space<vmem>>, %arg9: memref<2048xi32, #tpu.memory_space<vmem>>, %arg10: memref<2048xi32, #tpu.memory_space<vmem>>, %arg11: memref<1024xi32, #tpu.memory_space<vmem>>, %arg12: memref<1024xi32, #tpu.memory_space<vmem>>, %arg13: memref<16xi32, #tpu.memory_space<vmem>>, %arg14: memref<16xf32, #tpu.memory_space<vmem>>, %arg15: memref<16xi32, #tpu.memory_space<vmem>>) attributes {dimension_semantics = [#tpu.dimension_semantics<core_parallel>, #tpu.dimension_semantics<subcore_parallel>], iteration_bounds = array<i64: 2, 16>, scalar_prefetch = 0 : i64, scratch_operands = 10 : i64, tpu.core_type = #tpu.core_type<sc_vector_subcore>, window_params = [{transform_indices = #map}, {transform_indices = #map1}, {transform_indices = #map}, {transform_indices = #map}]} {
    %iota3A = tpu.iota {dimensions = array<i32: 0>} : vector<16xi32>
    %broadcast_in_dim3A = arith.constant 31 : i32
    %broadcast_in_dim3A_0 = vector.broadcast %broadcast_in_dim3A : i32 to vector<16xi32>
    %broadcast_in_dim3A_1 = arith.constant -2147483648 : i32
    %broadcast_in_dim3A_2 = vector.broadcast %broadcast_in_dim3A_1 : i32 to vector<16xi32>
    %broadcast_in_dim3A_3 = arith.constant 1 : i32
    %broadcast_in_dim3A_4 = vector.broadcast %broadcast_in_dim3A_3 : i32 to vector<16xi32>
    %broadcast_in_dim3A_5 = arith.constant 0 : i32
    %broadcast_in_dim3A_6 = vector.broadcast %broadcast_in_dim3A_5 : i32 to vector<16xi32>
    %mul3A = arith.constant 2 : i32
    %mul3A_7 = arith.muli %arg1, %mul3A : i32
    %add3A = arith.addi %mul3A_7, %arg0 : i32
    "tpu.region"() ({
      %run_scoped3A = tpu.sem_alloc : memref<!tpu.dma_semaphore, #tpu.memory_space<semaphore_mem>>
      tpu.enqueue_dma source(%arg3 : memref<16xi32, #tpu.memory_space<hbm>>) target(%arg13 : memref<16xi32, #tpu.memory_space<vmem>>) target_semaphore(%run_scoped3A : memref<!tpu.dma_semaphore, #tpu.memory_space<semaphore_mem>>)
      tpu.wait_dma2 semaphore(%run_scoped3A : memref<!tpu.dma_semaphore, #tpu.memory_space<semaphore_mem>>) src(%arg3 : memref<16xi32, #tpu.memory_space<hbm>>) dst(%arg13 : memref<16xi32, #tpu.memory_space<vmem>>)
      tpu.yield
    }) : () -> ()
    %get3A = arith.constant 0 : index
    %get3A_8 = tpu.vector_load %arg13[%get3A] {strides = array<i32>} : memref<16xi32, #tpu.memory_space<vmem>>, vector<16xi32>,
    %scan3A = arith.constant 0 : i32
    %scan3A_9 = arith.constant 0 : i32
    %scan3A_10 = arith.constant 128 : i32
    %scan3A_11 = arith.addi %scan3A_9, %scan3A_10 : i32
    %scan3A_12 = arith.constant 1 : i32
    scf.for %scan3A_27 = %scan3A_9 to %scan3A_11 step %scan3A_12  : i32 {
      %mul3A_28 = arith.constant 16 : i32
      %mul3A_29 = arith.muli %scan3A_27, %mul3A_28 : i32
      %swap3A_30 = arith.index_cast %mul3A_29 : i32 to index
      %swap3A_31 = tpu.vector_load %arg8[%swap3A_30] {strides = array<i32>} : memref<2048xi32, #tpu.memory_space<vmem>>, vector<16xi32>,
      tpu.vector_store %arg8[%swap3A_30], %broadcast_in_dim3A_6 {strides = array<i32>} : memref<2048xi32, #tpu.memory_space<vmem>>, vector<16xi32>,
      %mul3A_32 = arith.constant 16 : i32
      %mul3A_33 = arith.muli %scan3A_27, %mul3A_32 : i32
      %swap3A_34 = arith.index_cast %mul3A_33 : i32 to index
      %swap3A_35 = tpu.vector_load %arg9[%swap3A_34] {strides = array<i32>} : memref<2048xi32, #tpu.memory_space<vmem>>, vector<16xi32>,
      tpu.vector_store %arg9[%swap3A_34], %broadcast_in_dim3A_6 {strides = array<i32>} : memref<2048xi32, #tpu.memory_space<vmem>>, vector<16xi32>,
      %mul3A_36 = arith.constant 16 : i32
      %mul3A_37 = arith.muli %scan3A_27, %mul3A_36 : i32
      %swap3A_38 = arith.index_cast %mul3A_37 : i32 to index
      %swap3A_39 = tpu.vector_load %arg10[%swap3A_38] {strides = array<i32>} : memref<2048xi32, #tpu.memory_space<vmem>>, vector<16xi32>,
      tpu.vector_store %arg10[%swap3A_38], %broadcast_in_dim3A_6 {strides = array<i32>} : memref<2048xi32, #tpu.memory_space<vmem>>, vector<16xi32>,
    }
    %scan3A_13 = arith.constant 128 : i32
    %broadcast_in_dim3A_14 = arith.constant 0.000000e+00 : f32
    %broadcast_in_dim3A_15 = vector.broadcast %broadcast_in_dim3A_14 : f32 to vector<16xf32>
    %broadcast_in_dim3A_16 = arith.constant 0 : i32
    %broadcast_in_dim3A_17 = vector.broadcast %broadcast_in_dim3A_16 : i32 to vector<16xi32>
    %scan3A_18 = arith.constant 0 : i32
    %scan3A_19 = arith.constant 2 : i32
    %scan3A_20 = arith.addi %scan3A_18, %scan3A_19 : i32
    %scan3A_21 = arith.constant 1 : i32
    %scan3A_22:2 = scf.for %scan3A_27 = %scan3A_18 to %scan3A_20 step %scan3A_21 iter_args(%scan3A_28 = %broadcast_in_dim3A_15, %scan3A_29 = %broadcast_in_dim3A_17) -> (vector<16xf32>, vector<16xi32>)  : i32 {
      "tpu.trace_start"() <{level = 10 : i32, message = "dma_row"}> : () -> ()
      %mul3A_30 = arith.constant 2 : i32
      %mul3A_31 = arith.muli %add3A, %mul3A_30 : i32
      %add3A_32 = arith.addi %mul3A_31, %scan3A_27 : i32
      "tpu.region"() ({
        %run_scoped3A = tpu.sem_alloc : memref<!tpu.dma_semaphore, #tpu.memory_space<semaphore_mem>>
        %dma_start3A = arith.constant 0 : i32
        %dma_start3A_137 = tpu.memref_slice %arg2[%add3A_32, %dma_start3A] : memref<128x32768xf32, #tpu.memory_space<hbm>> -> memref<1x32768xf32, #tpu.memory_space<hbm>>
        %dma_start3A_138 = tpu.memref_squeeze %dma_start3A_137 : memref<1x32768xf32, #tpu.memory_space<hbm>> -> memref<32768xf32, #tpu.memory_space<hbm>>
        %dma_start3A_139 = arith.constant 0 : i32
        %dma_start3A_140 = tpu.memref_slice %arg2[%add3A_32, %dma_start3A_139] : memref<128x32768xf32, #tpu.memory_space<hbm>> -> memref<1x32768xf32, #tpu.memory_space<hbm>>
        %dma_start3A_141 = tpu.memref_squeeze %dma_start3A_140 : memref<1x32768xf32, #tpu.memory_space<hbm>> -> memref<32768xf32, #tpu.memory_space<hbm>>
        tpu.enqueue_dma source(%dma_start3A_141 : memref<32768xf32, #tpu.memory_space<hbm>>) target(%arg6 : memref<32768xf32, #tpu.memory_space<vmem>>) target_semaphore(%run_scoped3A : memref<!tpu.dma_semaphore, #tpu.memory_space<semaphore_mem>>)
        %dma_wait3A = arith.constant 0 : i32
        %dma_wait3A_142 = tpu.memref_slice %arg2[%add3A_32, %dma_wait3A] : memref<128x32768xf32, #tpu.memory_space<hbm>> -> memref<1x32768xf32, #tpu.memory_space<hbm>>
        %dma_wait3A_143 = tpu.memref_squeeze %dma_wait3A_142 : memref<1x32768xf32, #tpu.memory_space<hbm>> -> memref<32768xf32, #tpu.memory_space<hbm>>
        %dma_wait3A_144 = arith.constant 0 : i32
        %dma_wait3A_145 = tpu.memref_slice %arg2[%add3A_32, %dma_wait3A_144] : memref<128x32768xf32, #tpu.memory_space<hbm>> -> memref<1x32768xf32, #tpu.memory_space<hbm>>
        %dma_wait3A_146 = tpu.memref_squeeze %dma_wait3A_145 : memref<1x32768xf32, #tpu.memory_space<hbm>> -> memref<32768xf32, #tpu.memory_space<hbm>>
        tpu.wait_dma2 semaphore(%run_scoped3A : memref<!tpu.dma_semaphore, #tpu.memory_space<semaphore_mem>>) src(%dma_wait3A_146 : memref<32768xf32, #tpu.memory_space<hbm>>) dst(%arg6 : memref<32768xf32, #tpu.memory_space<vmem>>)
        tpu.yield
      }) : () -> ()
      "tpu.trace_stop"() : () -> ()
      "tpu.trace_start"() <{level = 10 : i32, message = "p1"}> : () -> ()
      %scan3A_33 = arith.constant 0 : i32
      %scan3A_34 = arith.constant 0 : i32
      %scan3A_35 = arith.constant 512 : i32
      %scan3A_36 = arith.addi %scan3A_34, %scan3A_35 : i32
      %scan3A_37 = arith.constant 1 : i32
      scf.for %scan3A_137 = %scan3A_34 to %scan3A_36 step %scan3A_37  : i32 {
        %mul3A_138 = arith.constant 4 : i32
        %mul3A_139 = arith.muli %scan3A_137, %mul3A_138 : i32
        %add3A_140 = arith.constant 0 : i32
        %add3A_141 = arith.addi %mul3A_139, %add3A_140 : i32
        %mul3A_142 = arith.constant 16 : i32
        %mul3A_143 = arith.muli %add3A_141, %mul3A_142 : i32
        %get3A_144 = arith.index_cast %mul3A_143 : i32 to index
        %get3A_145 = tpu.vector_load %arg6[%get3A_144] {strides = array<i32>} : memref<32768xf32, #tpu.memory_space<vmem>>, vector<16xf32>,
        %bitcast_convert_type3A_146 = tpu.bitcast %get3A_145 : vector<16xf32> -> vector<16xi32>
        %shift_right_arithmetic3A = arith.shrsi %bitcast_convert_type3A_146, %broadcast_in_dim3A_0 : vector<16xi32>
        %or3A = arith.ori %shift_right_arithmetic3A, %broadcast_in_dim3A_2 : vector<16xi32>
        %xor3A_147 = arith.xori %bitcast_convert_type3A_146, %or3A : vector<16xi32>
        %mul3A_148 = arith.constant 16 : i32
        %mul3A_149 = arith.muli %add3A_141, %mul3A_148 : i32
        %swap3A_150 = arith.index_cast %mul3A_149 : i32 to index
        %swap3A_151 = tpu.vector_load %arg7[%swap3A_150] {strides = array<i32>} : memref<32768xi32, #tpu.memory_space<vmem>>, vector<16xi32>,
        tpu.vector_store %arg7[%swap3A_150], %xor3A_147 {strides = array<i32>} : memref<32768xi32, #tpu.memory_space<vmem>>, vector<16xi32>,
        %shift_right_logical3A = arith.constant 21 : i32
        %shift_right_logical3A_152 = vector.broadcast %shift_right_logical3A : i32 to vector<16xi32>
        %shift_right_logical3A_153 = arith.shrui %xor3A_147, %shift_right_logical3A_152 : vector<16xi32>
        tpu.vector_store_idx %arg8[%shift_right_logical3A_153], %broadcast_in_dim3A_4 {add = true} : memref<2048xi32, #tpu.memory_space<vmem>>[vector<16xi32>], vector<16xi32>,
        %mul3A_154 = arith.constant 4 : i32
        %mul3A_155 = arith.muli %scan3A_137, %mul3A_154 : i32
        %add3A_156 = arith.constant 1 : i32
        %add3A_157 = arith.addi %mul3A_155, %add3A_156 : i32
        %mul3A_158 = arith.constant 16 : i32
        %mul3A_159 = arith.muli %add3A_157, %mul3A_158 : i32
        %get3A_160 = arith.index_cast %mul3A_159 : i32 to index
        %get3A_161 = tpu.vector_load %arg6[%get3A_160] {strides = array<i32>} : memref<32768xf32, #tpu.memory_space<vmem>>, vector<16xf32>,
        %bitcast_convert_type3A_162 = tpu.bitcast %get3A_161 : vector<16xf32> -> vector<16xi32>
        %shift_right_arithmetic3A_163 = arith.shrsi %bitcast_convert_type3A_162, %broadcast_in_dim3A_0 : vector<16xi32>
        %or3A_164 = arith.ori %shift_right_arithmetic3A_163, %broadcast_in_dim3A_2 : vector<16xi32>
        %xor3A_165 = arith.xori %bitcast_convert_type3A_162, %or3A_164 : vector<16xi32>
        %mul3A_166 = arith.constant 16 : i32
        %mul3A_167 = arith.muli %add3A_157, %mul3A_166 : i32
        %swap3A_168 = arith.index_cast %mul3A_167 : i32 to index
        %swap3A_169 = tpu.vector_load %arg7[%swap3A_168] {strides = array<i32>} : memref<32768xi32, #tpu.memory_space<vmem>>, vector<16xi32>,
        tpu.vector_store %arg7[%swap3A_168], %xor3A_165 {strides = array<i32>} : memref<32768xi32, #tpu.memory_space<vmem>>, vector<16xi32>,
        %shift_right_logical3A_170 = arith.constant 21 : i32
        %shift_right_logical3A_171 = vector.broadcast %shift_right_logical3A_170 : i32 to vector<16xi32>
        %shift_right_logical3A_172 = arith.shrui %xor3A_165, %shift_right_logical3A_171 : vector<16xi32>
        tpu.vector_store_idx %arg8[%shift_right_logical3A_172], %broadcast_in_dim3A_4 {add = true} : memref<2048xi32, #tpu.memory_space<vmem>>[vector<16xi32>], vector<16xi32>,
        %mul3A_173 = arith.constant 4 : i32
        %mul3A_174 = arith.muli %scan3A_137, %mul3A_173 : i32
        %add3A_175 = arith.constant 2 : i32
        %add3A_176 = arith.addi %mul3A_174, %add3A_175 : i32
        %mul3A_177 = arith.constant 16 : i32
        %mul3A_178 = arith.muli %add3A_176, %mul3A_177 : i32
        %get3A_179 = arith.index_cast %mul3A_178 : i32 to index
        %get3A_180 = tpu.vector_load %arg6[%get3A_179] {strides = array<i32>} : memref<32768xf32, #tpu.memory_space<vmem>>, vector<16xf32>,
        %bitcast_convert_type3A_181 = tpu.bitcast %get3A_180 : vector<16xf32> -> vector<16xi32>
        %shift_right_arithmetic3A_182 = arith.shrsi %bitcast_convert_type3A_181, %broadcast_in_dim3A_0 : vector<16xi32>
        %or3A_183 = arith.ori %shift_right_arithmetic3A_182, %broadcast_in_dim3A_2 : vector<16xi32>
        %xor3A_184 = arith.xori %bitcast_convert_type3A_181, %or3A_183 : vector<16xi32>
        %mul3A_185 = arith.constant 16 : i32
        %mul3A_186 = arith.muli %add3A_176, %mul3A_185 : i32
        %swap3A_187 = arith.index_cast %mul3A_186 : i32 to index
        %swap3A_188 = tpu.vector_load %arg7[%swap3A_187] {strides = array<i32>} : memref<32768xi32, #tpu.memory_space<vmem>>, vector<16xi32>,
        tpu.vector_store %arg7[%swap3A_187], %xor3A_184 {strides = array<i32>} : memref<32768xi32, #tpu.memory_space<vmem>>, vector<16xi32>,
        %shift_right_logical3A_189 = arith.constant 21 : i32
        %shift_right_logical3A_190 = vector.broadcast %shift_right_logical3A_189 : i32 to vector<16xi32>
        %shift_right_logical3A_191 = arith.shrui %xor3A_184, %shift_right_logical3A_190 : vector<16xi32>
        tpu.vector_store_idx %arg8[%shift_right_logical3A_191], %broadcast_in_dim3A_4 {add = true} : memref<2048xi32, #tpu.memory_space<vmem>>[vector<16xi32>], vector<16xi32>,
        %mul3A_192 = arith.constant 4 : i32
        %mul3A_193 = arith.muli %scan3A_137, %mul3A_192 : i32
        %add3A_194 = arith.constant 3 : i32
        %add3A_195 = arith.addi %mul3A_193, %add3A_194 : i32
        %mul3A_196 = arith.constant 16 : i32
        %mul3A_197 = arith.muli %add3A_195, %mul3A_196 : i32
        %get3A_198 = arith.index_cast %mul3A_197 : i32 to index
        %get3A_199 = tpu.vector_load %arg6[%get3A_198] {strides = array<i32>} : memref<32768xf32, #tpu.memory_space<vmem>>, vector<16xf32>,
        %bitcast_convert_type3A_200 = tpu.bitcast %get3A_199 : vector<16xf32> -> vector<16xi32>
        %shift_right_arithmetic3A_201 = arith.shrsi %bitcast_convert_type3A_200, %broadcast_in_dim3A_0 : vector<16xi32>
        %or3A_202 = arith.ori %shift_right_arithmetic3A_201, %broadcast_in_dim3A_2 : vector<16xi32>
        %xor3A_203 = arith.xori %bitcast_convert_type3A_200, %or3A_202 : vector<16xi32>
        %mul3A_204 = arith.constant 16 : i32
        %mul3A_205 = arith.muli %add3A_195, %mul3A_204 : i32
        %swap3A_206 = arith.index_cast %mul3A_205 : i32 to index
        %swap3A_207 = tpu.vector_load %arg7[%swap3A_206] {strides = array<i32>} : memref<32768xi32, #tpu.memory_space<vmem>>, vector<16xi32>,
        tpu.vector_store %arg7[%swap3A_206], %xor3A_203 {strides = array<i32>} : memref<32768xi32, #tpu.memory_space<vmem>>, vector<16xi32>,
        %shift_right_logical3A_208 = arith.constant 21 : i32
        %shift_right_logical3A_209 = vector.broadcast %shift_right_logical3A_208 : i32 to vector<16xi32>
        %shift_right_logical3A_210 = arith.shrui %xor3A_203, %shift_right_logical3A_209 : vector<16xi32>
        tpu.vector_store_idx %arg8[%shift_right_logical3A_210], %broadcast_in_dim3A_4 {add = true} : memref<2048xi32, #tpu.memory_space<vmem>>[vector<16xi32>], vector<16xi32>,
      }
      %scan3A_38 = arith.constant 512 : i32
      "tpu.trace_stop"() : () -> ()
      "tpu.trace_start"() <{level = 10 : i32, message = "scan1"}> : () -> ()
      %scan3A_39 = arith.constant 0 : i32
      %scan3A_40 = arith.constant 32 : i32
      %scan3A_41 = arith.addi %scan3A_39, %scan3A_40 : i32
      %scan3A_42 = arith.constant 1 : i32
      %scan3A_43:4 = scf.for %scan3A_137 = %scan3A_39 to %scan3A_41 step %scan3A_42 iter_args(%scan3A_138 = %broadcast_in_dim3A_6, %scan3A_139 = %broadcast_in_dim3A_6, %scan3A_140 = %broadcast_in_dim3A_6, %scan3A_141 = %broadcast_in_dim3A_6) -> (vector<16xi32>, vector<16xi32>, vector<16xi32>, vector<16xi32>)  : i32 {
        %mul3A_142 = arith.constant 4 : i32
        %mul3A_143 = arith.muli %scan3A_137, %mul3A_142 : i32
        %add3A_144 = arith.constant 0 : i32
        %add3A_145 = arith.addi %mul3A_143, %add3A_144 : i32
        %mul3A_146 = arith.constant 16 : i32
        %mul3A_147 = arith.muli %add3A_145, %mul3A_146 : i32
        %get3A_148 = arith.index_cast %mul3A_147 : i32 to index
        %get3A_149 = tpu.vector_load %arg8[%get3A_148] {strides = array<i32>} : memref<2048xi32, #tpu.memory_space<vmem>>, vector<16xi32>,
        %mul3A_150 = arith.constant 16 : i32
        %mul3A_151 = arith.muli %add3A_145, %mul3A_150 : i32
        %swap3A_152 = arith.index_cast %mul3A_151 : i32 to index
        %swap3A_153 = tpu.vector_load %arg8[%swap3A_152] {strides = array<i32>} : memref<2048xi32, #tpu.memory_space<vmem>>, vector<16xi32>,
        tpu.vector_store %arg8[%swap3A_152], %broadcast_in_dim3A_6 {strides = array<i32>} : memref<2048xi32, #tpu.memory_space<vmem>>, vector<16xi32>,
        %broadcast_in_dim3A_154 = arith.constant true
        %broadcast_in_dim3A_155 = vector.broadcast %broadcast_in_dim3A_154 : i1 to vector<16xi1>
        %masked_cumsum3A = tpu.scan <sum>, %get3A_149 masked %broadcast_in_dim3A_155 : vector<16xi32>, vector<16xi1> -> vector<16xi32>
        %add3A_156 = arith.addi %masked_cumsum3A, %scan3A_138 : vector<16xi32>
        %sub3A_157 = arith.subi %add3A_156, %get3A_149 : vector<16xi32>
        %ge3A = arith.cmpi sge, %add3A_156, %get3A_8 : vector<16xi32>
        %lt3A_158 = arith.cmpi slt, %sub3A_157, %get3A_8 : vector<16xi32>
        %and3A = arith.andi %ge3A, %lt3A_158 : vector<16xi1>
        %mul3A_159 = arith.constant 16 : i32
        %mul3A_160 = arith.muli %add3A_145, %mul3A_159 : i32
        %add3A_161 = vector.broadcast %mul3A_160 : i32 to vector<16xi32>
        %add3A_162 = arith.addi %iota3A, %add3A_161 : vector<16xi32>
        %jit3A = arith.constant 0 : i32
        %broadcast_in_dim3A_163 = vector.broadcast %jit3A : i32 to vector<16xi32>
        %select_n3A_164 = arith.select %and3A, %add3A_162, %broadcast_in_dim3A_163 : vector<16xi1>, vector<16xi32>
        %add3A_165 = arith.addi %scan3A_139, %select_n3A_164 : vector<16xi32>
        %jit3A_166 = arith.constant 0 : i32
        %broadcast_in_dim3A_167 = vector.broadcast %jit3A_166 : i32 to vector<16xi32>
        %select_n3A_168 = arith.select %and3A, %sub3A_157, %broadcast_in_dim3A_167 : vector<16xi1>, vector<16xi32>
        %add3A_169 = arith.addi %scan3A_140, %select_n3A_168 : vector<16xi32>
        %jit3A_170 = arith.constant 0 : i32
        %broadcast_in_dim3A_171 = vector.broadcast %jit3A_170 : i32 to vector<16xi32>
        %select_n3A_172 = arith.select %and3A, %get3A_149, %broadcast_in_dim3A_171 : vector<16xi1>, vector<16xi32>
        %add3A_173 = arith.addi %scan3A_141, %select_n3A_172 : vector<16xi32>
        %reduce_max3A_174 = arith.constant true
        %reduce_max3A_175 = vector.broadcast %reduce_max3A_174 : i1 to vector<16xi1>
        %reduce_max3A_176 = arith.constant -2147483648 : i32
        %reduce_max3A_177 = vector.broadcast %reduce_max3A_176 : i32 to vector<16xi32>
        %reduce_max3A_178 = arith.xori %masked_cumsum3A, %reduce_max3A_177 : vector<16xi32>
        %reduce_max3A_179 = tpu.scan <max>, %reduce_max3A_178 masked %reduce_max3A_175 : vector<16xi32>, vector<16xi1> -> vector<16xi32>
        %reduce_max3A_180 = arith.xori %reduce_max3A_179, %reduce_max3A_177 : vector<16xi32>
        %reduce_max3A_181 = vector.extract %reduce_max3A_180[15] : i32 from vector<16xi32>
        %add3A_182 = vector.broadcast %reduce_max3A_181 : i32 to vector<16xi32>
        %add3A_183 = arith.addi %scan3A_138, %add3A_182 : vector<16xi32>
        %mul3A_184 = arith.constant 4 : i32
        %mul3A_185 = arith.muli %scan3A_137, %mul3A_184 : i32
        %add3A_186 = arith.constant 1 : i32
        %add3A_187 = arith.addi %mul3A_185, %add3A_186 : i32
        %mul3A_188 = arith.constant 16 : i32
        %mul3A_189 = arith.muli %add3A_187, %mul3A_188 : i32
        %get3A_190 = arith.index_cast %mul3A_189 : i32 to index
        %get3A_191 = tpu.vector_load %arg8[%get3A_190] {strides = array<i32>} : memref<2048xi32, #tpu.memory_space<vmem>>, vector<16xi32>,
        %mul3A_192 = arith.constant 16 : i32
        %mul3A_193 = arith.muli %add3A_187, %mul3A_192 : i32
        %swap3A_194 = arith.index_cast %mul3A_193 : i32 to index
        %swap3A_195 = tpu.vector_load %arg8[%swap3A_194] {strides = array<i32>} : memref<2048xi32, #tpu.memory_space<vmem>>, vector<16xi32>,
        tpu.vector_store %arg8[%swap3A_194], %broadcast_in_dim3A_6 {strides = array<i32>} : memref<2048xi32, #tpu.memory_space<vmem>>, vector<16xi32>,
        %broadcast_in_dim3A_196 = arith.constant true
        %broadcast_in_dim3A_197 = vector.broadcast %broadcast_in_dim3A_196 : i1 to vector<16xi1>
        %masked_cumsum3A_198 = tpu.scan <sum>, %get3A_191 masked %broadcast_in_dim3A_197 : vector<16xi32>, vector<16xi1> -> vector<16xi32>
        %add3A_199 = arith.addi %masked_cumsum3A_198, %add3A_183 : vector<16xi32>
        %sub3A_200 = arith.subi %add3A_199, %get3A_191 : vector<16xi32>
        %ge3A_201 = arith.cmpi sge, %add3A_199, %get3A_8 : vector<16xi32>
        %lt3A_202 = arith.cmpi slt, %sub3A_200, %get3A_8 : vector<16xi32>
        %and3A_203 = arith.andi %ge3A_201, %lt3A_202 : vector<16xi1>
        %mul3A_204 = arith.constant 16 : i32
        %mul3A_205 = arith.muli %add3A_187, %mul3A_204 : i32
        %add3A_206 = vector.broadcast %mul3A_205 : i32 to vector<16xi32>
        %add3A_207 = arith.addi %iota3A, %add3A_206 : vector<16xi32>
        %jit3A_208 = arith.constant 0 : i32
        %broadcast_in_dim3A_209 = vector.broadcast %jit3A_208 : i32 to vector<16xi32>
        %select_n3A_210 = arith.select %and3A_203, %add3A_207, %broadcast_in_dim3A_209 : vector<16xi1>, vector<16xi32>
        %add3A_211 = arith.addi %add3A_165, %select_n3A_210 : vector<16xi32>
        %jit3A_212 = arith.constant 0 : i32
        %broadcast_in_dim3A_213 = vector.broadcast %jit3A_212 : i32 to vector<16xi32>
        %select_n3A_214 = arith.select %and3A_203, %sub3A_200, %broadcast_in_dim3A_213 : vector<16xi1>, vector<16xi32>
        %add3A_215 = arith.addi %add3A_169, %select_n3A_214 : vector<16xi32>
        %jit3A_216 = arith.constant 0 : i32
        %broadcast_in_dim3A_217 = vector.broadcast %jit3A_216 : i32 to vector<16xi32>
        %select_n3A_218 = arith.select %and3A_203, %get3A_191, %broadcast_in_dim3A_217 : vector<16xi1>, vector<16xi32>
        %add3A_219 = arith.addi %add3A_173, %select_n3A_218 : vector<16xi32>
        %reduce_max3A_220 = arith.constant true
        %reduce_max3A_221 = vector.broadcast %reduce_max3A_220 : i1 to vector<16xi1>
        %reduce_max3A_222 = arith.constant -2147483648 : i32
        %reduce_max3A_223 = vector.broadcast %reduce_max3A_222 : i32 to vector<16xi32>
        %reduce_max3A_224 = arith.xori %masked_cumsum3A_198, %reduce_max3A_223 : vector<16xi32>
        %reduce_max3A_225 = tpu.scan <max>, %reduce_max3A_224 masked %reduce_max3A_221 : vector<16xi32>, vector<16xi1> -> vector<16xi32>
        %reduce_max3A_226 = arith.xori %reduce_max3A_225, %reduce_max3A_223 : vector<16xi32>
        %reduce_max3A_227 = vector.extract %reduce_max3A_226[15] : i32 from vector<16xi32>
        %add3A_228 = vector.broadcast %reduce_max3A_227 : i32 to vector<16xi32>
        %add3A_229 = arith.addi %add3A_183, %add3A_228 : vector<16xi32>
        %mul3A_230 = arith.constant 4 : i32
        %mul3A_231 = arith.muli %scan3A_137, %mul3A_230 : i32
        %add3A_232 = arith.constant 2 : i32
        %add3A_233 = arith.addi %mul3A_231, %add3A_232 : i32
        %mul3A_234 = arith.constant 16 : i32
        %mul3A_235 = arith.muli %add3A_233, %mul3A_234 : i32
        %get3A_236 = arith.index_cast %mul3A_235 : i32 to index
        %get3A_237 = tpu.vector_load %arg8[%get3A_236] {strides = array<i32>} : memref<2048xi32, #tpu.memory_space<vmem>>, vector<16xi32>,
        %mul3A_238 = arith.constant 16 : i32
        %mul3A_239 = arith.muli %add3A_233, %mul3A_238 : i32
        %swap3A_240 = arith.index_cast %mul3A_239 : i32 to index
        %swap3A_241 = tpu.vector_load %arg8[%swap3A_240] {strides = array<i32>} : memref<2048xi32, #tpu.memory_space<vmem>>, vector<16xi32>,
        tpu.vector_store %arg8[%swap3A_240], %broadcast_in_dim3A_6 {strides = array<i32>} : memref<2048xi32, #tpu.memory_space<vmem>>, vector<16xi32>,
        %broadcast_in_dim3A_242 = arith.constant true
        %broadcast_in_dim3A_243 = vector.broadcast %broadcast_in_dim3A_242 : i1 to vector<16xi1>
        %masked_cumsum3A_244 = tpu.scan <sum>, %get3A_237 masked %broadcast_in_dim3A_243 : vector<16xi32>, vector<16xi1> -> vector<16xi32>
        %add3A_245 = arith.addi %masked_cumsum3A_244, %add3A_229 : vector<16xi32>
        %sub3A_246 = arith.subi %add3A_245, %get3A_237 : vector<16xi32>
        %ge3A_247 = arith.cmpi sge, %add3A_245, %get3A_8 : vector<16xi32>
        %lt3A_248 = arith.cmpi slt, %sub3A_246, %get3A_8 : vector<16xi32>
        %and3A_249 = arith.andi %ge3A_247, %lt3A_248 : vector<16xi1>
        %mul3A_250 = arith.constant 16 : i32
        %mul3A_251 = arith.muli %add3A_233, %mul3A_250 : i32
        %add3A_252 = vector.broadcast %mul3A_251 : i32 to vector<16xi32>
        %add3A_253 = arith.addi %iota3A, %add3A_252 : vector<16xi32>
        %jit3A_254 = arith.constant 0 : i32
        %broadcast_in_dim3A_255 = vector.broadcast %jit3A_254 : i32 to vector<16xi32>
        %select_n3A_256 = arith.select %and3A_249, %add3A_253, %broadcast_in_dim3A_255 : vector<16xi1>, vector<16xi32>
        %add3A_257 = arith.addi %add3A_211, %select_n3A_256 : vector<16xi32>
        %jit3A_258 = arith.constant 0 : i32
        %broadcast_in_dim3A_259 = vector.broadcast %jit3A_258 : i32 to vector<16xi32>
        %select_n3A_260 = arith.select %and3A_249, %sub3A_246, %broadcast_in_dim3A_259 : vector<16xi1>, vector<16xi32>
        %add3A_261 = arith.addi %add3A_215, %select_n3A_260 : vector<16xi32>
        %jit3A_262 = arith.constant 0 : i32
        %broadcast_in_dim3A_263 = vector.broadcast %jit3A_262 : i32 to vector<16xi32>
        %select_n3A_264 = arith.select %and3A_249, %get3A_237, %broadcast_in_dim3A_263 : vector<16xi1>, vector<16xi32>
        %add3A_265 = arith.addi %add3A_219, %select_n3A_264 : vector<16xi32>
        %reduce_max3A_266 = arith.constant true
        %reduce_max3A_267 = vector.broadcast %reduce_max3A_266 : i1 to vector<16xi1>
        %reduce_max3A_268 = arith.constant -2147483648 : i32
        %reduce_max3A_269 = vector.broadcast %reduce_max3A_268 : i32 to vector<16xi32>
        %reduce_max3A_270 = arith.xori %masked_cumsum3A_244, %reduce_max3A_269 : vector<16xi32>
        %reduce_max3A_271 = tpu.scan <max>, %reduce_max3A_270 masked %reduce_max3A_267 : vector<16xi32>, vector<16xi1> -> vector<16xi32>
        %reduce_max3A_272 = arith.xori %reduce_max3A_271, %reduce_max3A_269 : vector<16xi32>
        %reduce_max3A_273 = vector.extract %reduce_max3A_272[15] : i32 from vector<16xi32>
        %add3A_274 = vector.broadcast %reduce_max3A_273 : i32 to vector<16xi32>
        %add3A_275 = arith.addi %add3A_229, %add3A_274 : vector<16xi32>
        %mul3A_276 = arith.constant 4 : i32
        %mul3A_277 = arith.muli %scan3A_137, %mul3A_276 : i32
        %add3A_278 = arith.constant 3 : i32
        %add3A_279 = arith.addi %mul3A_277, %add3A_278 : i32
        %mul3A_280 = arith.constant 16 : i32
        %mul3A_281 = arith.muli %add3A_279, %mul3A_280 : i32
        %get3A_282 = arith.index_cast %mul3A_281 : i32 to index
        %get3A_283 = tpu.vector_load %arg8[%get3A_282] {strides = array<i32>} : memref<2048xi32, #tpu.memory_space<vmem>>, vector<16xi32>,
        %mul3A_284 = arith.constant 16 : i32
        %mul3A_285 = arith.muli %add3A_279, %mul3A_284 : i32
        %swap3A_286 = arith.index_cast %mul3A_285 : i32 to index
        %swap3A_287 = tpu.vector_load %arg8[%swap3A_286] {strides = array<i32>} : memref<2048xi32, #tpu.memory_space<vmem>>, vector<16xi32>,
        tpu.vector_store %arg8[%swap3A_286], %broadcast_in_dim3A_6 {strides = array<i32>} : memref<2048xi32, #tpu.memory_space<vmem>>, vector<16xi32>,
        %broadcast_in_dim3A_288 = arith.constant true
        %broadcast_in_dim3A_289 = vector.broadcast %broadcast_in_dim3A_288 : i1 to vector<16xi1>
        %masked_cumsum3A_290 = tpu.scan <sum>, %get3A_283 masked %broadcast_in_dim3A_289 : vector<16xi32>, vector<16xi1> -> vector<16xi32>
        %add3A_291 = arith.addi %masked_cumsum3A_290, %add3A_275 : vector<16xi32>
        %sub3A_292 = arith.subi %add3A_291, %get3A_283 : vector<16xi32>
        %ge3A_293 = arith.cmpi sge, %add3A_291, %get3A_8 : vector<16xi32>
        %lt3A_294 = arith.cmpi slt, %sub3A_292, %get3A_8 : vector<16xi32>
        %and3A_295 = arith.andi %ge3A_293, %lt3A_294 : vector<16xi1>
        %mul3A_296 = arith.constant 16 : i32
        %mul3A_297 = arith.muli %add3A_279, %mul3A_296 : i32
        %add3A_298 = vector.broadcast %mul3A_297 : i32 to vector<16xi32>
        %add3A_299 = arith.addi %iota3A, %add3A_298 : vector<16xi32>
        %jit3A_300 = arith.constant 0 : i32
        %broadcast_in_dim3A_301 = vector.broadcast %jit3A_300 : i32 to vector<16xi32>
        %select_n3A_302 = arith.select %and3A_295, %add3A_299, %broadcast_in_dim3A_301 : vector<16xi1>, vector<16xi32>
        %add3A_303 = arith.addi %add3A_257, %select_n3A_302 : vector<16xi32>
        %jit3A_304 = arith.constant 0 : i32
        %broadcast_in_dim3A_305 = vector.broadcast %jit3A_304 : i32 to vector<16xi32>
        %select_n3A_306 = arith.select %and3A_295, %sub3A_292, %broadcast_in_dim3A_305 : vector<16xi1>, vector<16xi32>
        %add3A_307 = arith.addi %add3A_261, %select_n3A_306 : vector<16xi32>
        %jit3A_308 = arith.constant 0 : i32
        %broadcast_in_dim3A_309 = vector.broadcast %jit3A_308 : i32 to vector<16xi32>
        %select_n3A_310 = arith.select %and3A_295, %get3A_283, %broadcast_in_dim3A_309 : vector<16xi1>, vector<16xi32>
        %add3A_311 = arith.addi %add3A_265, %select_n3A_310 : vector<16xi32>
        %reduce_max3A_312 = arith.constant true
        %reduce_max3A_313 = vector.broadcast %reduce_max3A_312 : i1 to vector<16xi1>
        %reduce_max3A_314 = arith.constant -2147483648 : i32
        %reduce_max3A_315 = vector.broadcast %reduce_max3A_314 : i32 to vector<16xi32>
        %reduce_max3A_316 = arith.xori %masked_cumsum3A_290, %reduce_max3A_315 : vector<16xi32>
        %reduce_max3A_317 = tpu.scan <max>, %reduce_max3A_316 masked %reduce_max3A_313 : vector<16xi32>, vector<16xi1> -> vector<16xi32>
        %reduce_max3A_318 = arith.xori %reduce_max3A_317, %reduce_max3A_315 : vector<16xi32>
        %reduce_max3A_319 = vector.extract %reduce_max3A_318[15] : i32 from vector<16xi32>
        %add3A_320 = vector.broadcast %reduce_max3A_319 : i32 to vector<16xi32>
        %add3A_321 = arith.addi %add3A_275, %add3A_320 : vector<16xi32>
        scf.yield %add3A_321, %add3A_303, %add3A_307, %add3A_311 : vector<16xi32>, vector<16xi32>, vector<16xi32>, vector<16xi32>
      }
      %scan3A_44 = arith.constant 32 : i32
      %reduce_max3A = arith.constant true
      %reduce_max3A_45 = vector.broadcast %reduce_max3A : i1 to vector<16xi1>
      %reduce_max3A_46 = arith.constant -2147483648 : i32
      %reduce_max3A_47 = vector.broadcast %reduce_max3A_46 : i32 to vector<16xi32>
      %reduce_max3A_48 = arith.xori %scan3A_43#1, %reduce_max3A_47 : vector<16xi32>
      %reduce_max3A_49 = tpu.scan <max>, %reduce_max3A_48 masked %reduce_max3A_45 : vector<16xi32>, vector<16xi1> -> vector<16xi32>
      %reduce_max3A_50 = arith.xori %reduce_max3A_49, %reduce_max3A_47 : vector<16xi32>
      %reduce_max3A_51 = vector.extract %reduce_max3A_50[15] : i32 from vector<16xi32>
      %reduce_max3A_52 = arith.constant true
      %reduce_max3A_53 = vector.broadcast %reduce_max3A_52 : i1 to vector<16xi1>
      %reduce_max3A_54 = arith.constant -2147483648 : i32
      %reduce_max3A_55 = vector.broadcast %reduce_max3A_54 : i32 to vector<16xi32>
      %reduce_max3A_56 = arith.xori %scan3A_43#2, %reduce_max3A_55 : vector<16xi32>
      %reduce_max3A_57 = tpu.scan <max>, %reduce_max3A_56 masked %reduce_max3A_53 : vector<16xi32>, vector<16xi1> -> vector<16xi32>
      %reduce_max3A_58 = arith.xori %reduce_max3A_57, %reduce_max3A_55 : vector<16xi32>
      %reduce_max3A_59 = vector.extract %reduce_max3A_58[15] : i32 from vector<16xi32>
      %reduce_max3A_60 = arith.constant true
      %reduce_max3A_61 = vector.broadcast %reduce_max3A_60 : i1 to vector<16xi1>
      %reduce_max3A_62 = arith.constant -2147483648 : i32
      %reduce_max3A_63 = vector.broadcast %reduce_max3A_62 : i32 to vector<16xi32>
      %reduce_max3A_64 = arith.xori %scan3A_43#3, %reduce_max3A_63 : vector<16xi32>
      %reduce_max3A_65 = tpu.scan <max>, %reduce_max3A_64 masked %reduce_max3A_61 : vector<16xi32>, vector<16xi1> -> vector<16xi32>
      %reduce_max3A_66 = arith.xori %reduce_max3A_65, %reduce_max3A_63 : vector<16xi32>
      %reduce_max3A_67 = vector.extract %reduce_max3A_66[15] : i32 from vector<16xi32>
      %reduce_max3A_68 = arith.constant true
      %reduce_max3A_69 = vector.broadcast %reduce_max3A_68 : i1 to vector<16xi1>
      %reduce_max3A_70 = arith.constant -2147483648 : i32
      %reduce_max3A_71 = vector.broadcast %reduce_max3A_70 : i32 to vector<16xi32>
      %reduce_max3A_72 = arith.xori %broadcast_in_dim3A_6, %reduce_max3A_71 : vector<16xi32>
      %reduce_max3A_73 = tpu.scan <max>, %reduce_max3A_72 masked %reduce_max3A_69 : vector<16xi32>, vector<16xi1> -> vector<16xi32>
      %reduce_max3A_74 = arith.xori %reduce_max3A_73, %reduce_max3A_71 : vector<16xi32>
      %reduce_max3A_75 = vector.extract %reduce_max3A_74[15] : i32 from vector<16xi32>
      "tpu.trace_stop"() : () -> ()
      %sub3A = vector.broadcast %reduce_max3A_59 : i32 to vector<16xi32>
      %sub3A_76 = arith.subi %get3A_8, %sub3A : vector<16xi32>
      "tpu.trace_start"() <{level = 10 : i32, message = "p2"}> : () -> ()
      %scan3A_77 = arith.constant 0 : i32
      %scan3A_78 = arith.constant 0 : i32
      %scan3A_79 = arith.constant 512 : i32
      %scan3A_80 = arith.addi %scan3A_78, %scan3A_79 : i32
      %scan3A_81 = arith.constant 1 : i32
      scf.for %scan3A_137 = %scan3A_78 to %scan3A_80 step %scan3A_81  : i32 {
        %mul3A_138 = arith.constant 4 : i32
        %mul3A_139 = arith.muli %scan3A_137, %mul3A_138 : i32
        %add3A_140 = arith.constant 0 : i32
        %add3A_141 = arith.addi %mul3A_139, %add3A_140 : i32
        %mul3A_142 = arith.constant 16 : i32
        %mul3A_143 = arith.muli %add3A_141, %mul3A_142 : i32
        %get3A_144 = arith.index_cast %mul3A_143 : i32 to index
        %get3A_145 = tpu.vector_load %arg7[%get3A_144] {strides = array<i32>} : memref<32768xi32, #tpu.memory_space<vmem>>, vector<16xi32>,
        %shift_right_logical3A = arith.constant 21 : i32
        %shift_right_logical3A_146 = vector.broadcast %shift_right_logical3A : i32 to vector<16xi32>
        %shift_right_logical3A_147 = arith.shrui %get3A_145, %shift_right_logical3A_146 : vector<16xi32>
        %shift_right_logical3A_148 = arith.constant 10 : i32
        %shift_right_logical3A_149 = vector.broadcast %shift_right_logical3A_148 : i32 to vector<16xi32>
        %shift_right_logical3A_150 = arith.shrui %get3A_145, %shift_right_logical3A_149 : vector<16xi32>
        %and3A = arith.constant 2047 : i32
        %and3A_151 = vector.broadcast %and3A : i32 to vector<16xi32>
        %and3A_152 = arith.andi %shift_right_logical3A_150, %and3A_151 : vector<16xi32>
        %eq3A_153 = vector.broadcast %reduce_max3A_51 : i32 to vector<16xi32>
        %eq3A_154 = arith.cmpi eq, %shift_right_logical3A_147, %eq3A_153 : vector<16xi32>
        %mul3A_155 = arith.constant 16 : i32
        %mul3A_156 = arith.muli %add3A_141, %mul3A_155 : i32
        %add3A_157 = vector.broadcast %mul3A_156 : i32 to vector<16xi32>
        %add3A_158 = arith.addi %iota3A, %add3A_157 : vector<16xi32>
        tpu.vector_store_idx %arg9[%and3A_152], %broadcast_in_dim3A_4 masked %eq3A_154 {add = true} : memref<2048xi32, #tpu.memory_space<vmem>>[vector<16xi32>], vector<16xi32>, vector<16xi1>
        tpu.vector_store_idx %arg10[%and3A_152], %add3A_158 masked %eq3A_154 {add = true} : memref<2048xi32, #tpu.memory_space<vmem>>[vector<16xi32>], vector<16xi32>, vector<16xi1>
        %mul3A_159 = arith.constant 4 : i32
        %mul3A_160 = arith.muli %scan3A_137, %mul3A_159 : i32
        %add3A_161 = arith.constant 1 : i32
        %add3A_162 = arith.addi %mul3A_160, %add3A_161 : i32
        %mul3A_163 = arith.constant 16 : i32
        %mul3A_164 = arith.muli %add3A_162, %mul3A_163 : i32
        %get3A_165 = arith.index_cast %mul3A_164 : i32 to index
        %get3A_166 = tpu.vector_load %arg7[%get3A_165] {strides = array<i32>} : memref<32768xi32, #tpu.memory_space<vmem>>, vector<16xi32>,
        %shift_right_logical3A_167 = arith.constant 21 : i32
        %shift_right_logical3A_168 = vector.broadcast %shift_right_logical3A_167 : i32 to vector<16xi32>
        %shift_right_logical3A_169 = arith.shrui %get3A_166, %shift_right_logical3A_168 : vector<16xi32>
        %shift_right_logical3A_170 = arith.constant 10 : i32
        %shift_right_logical3A_171 = vector.broadcast %shift_right_logical3A_170 : i32 to vector<16xi32>
        %shift_right_logical3A_172 = arith.shrui %get3A_166, %shift_right_logical3A_171 : vector<16xi32>
        %and3A_173 = arith.constant 2047 : i32
        %and3A_174 = vector.broadcast %and3A_173 : i32 to vector<16xi32>
        %and3A_175 = arith.andi %shift_right_logical3A_172, %and3A_174 : vector<16xi32>
        %eq3A_176 = vector.broadcast %reduce_max3A_51 : i32 to vector<16xi32>
        %eq3A_177 = arith.cmpi eq, %shift_right_logical3A_169, %eq3A_176 : vector<16xi32>
        %mul3A_178 = arith.constant 16 : i32
        %mul3A_179 = arith.muli %add3A_162, %mul3A_178 : i32
        %add3A_180 = vector.broadcast %mul3A_179 : i32 to vector<16xi32>
        %add3A_181 = arith.addi %iota3A, %add3A_180 : vector<16xi32>
        tpu.vector_store_idx %arg9[%and3A_175], %broadcast_in_dim3A_4 masked %eq3A_177 {add = true} : memref<2048xi32, #tpu.memory_space<vmem>>[vector<16xi32>], vector<16xi32>, vector<16xi1>
        tpu.vector_store_idx %arg10[%and3A_175], %add3A_181 masked %eq3A_177 {add = true} : memref<2048xi32, #tpu.memory_space<vmem>>[vector<16xi32>], vector<16xi32>, vector<16xi1>
        %mul3A_182 = arith.constant 4 : i32
        %mul3A_183 = arith.muli %scan3A_137, %mul3A_182 : i32
        %add3A_184 = arith.constant 2 : i32
        %add3A_185 = arith.addi %mul3A_183, %add3A_184 : i32
        %mul3A_186 = arith.constant 16 : i32
        %mul3A_187 = arith.muli %add3A_185, %mul3A_186 : i32
        %get3A_188 = arith.index_cast %mul3A_187 : i32 to index
        %get3A_189 = tpu.vector_load %arg7[%get3A_188] {strides = array<i32>} : memref<32768xi32, #tpu.memory_space<vmem>>, vector<16xi32>,
        %shift_right_logical3A_190 = arith.constant 21 : i32
        %shift_right_logical3A_191 = vector.broadcast %shift_right_logical3A_190 : i32 to vector<16xi32>
        %shift_right_logical3A_192 = arith.shrui %get3A_189, %shift_right_logical3A_191 : vector<16xi32>
        %shift_right_logical3A_193 = arith.constant 10 : i32
        %shift_right_logical3A_194 = vector.broadcast %shift_right_logical3A_193 : i32 to vector<16xi32>
        %shift_right_logical3A_195 = arith.shrui %get3A_189, %shift_right_logical3A_194 : vector<16xi32>
        %and3A_196 = arith.constant 2047 : i32
        %and3A_197 = vector.broadcast %and3A_196 : i32 to vector<16xi32>
        %and3A_198 = arith.andi %shift_right_logical3A_195, %and3A_197 : vector<16xi32>
        %eq3A_199 = vector.broadcast %reduce_max3A_51 : i32 to vector<16xi32>
        %eq3A_200 = arith.cmpi eq, %shift_right_logical3A_192, %eq3A_199 : vector<16xi32>
        %mul3A_201 = arith.constant 16 : i32
        %mul3A_202 = arith.muli %add3A_185, %mul3A_201 : i32
        %add3A_203 = vector.broadcast %mul3A_202 : i32 to vector<16xi32>
        %add3A_204 = arith.addi %iota3A, %add3A_203 : vector<16xi32>
        tpu.vector_store_idx %arg9[%and3A_198], %broadcast_in_dim3A_4 masked %eq3A_200 {add = true} : memref<2048xi32, #tpu.memory_space<vmem>>[vector<16xi32>], vector<16xi32>, vector<16xi1>
        tpu.vector_store_idx %arg10[%and3A_198], %add3A_204 masked %eq3A_200 {add = true} : memref<2048xi32, #tpu.memory_space<vmem>>[vector<16xi32>], vector<16xi32>, vector<16xi1>
        %mul3A_205 = arith.constant 4 : i32
        %mul3A_206 = arith.muli %scan3A_137, %mul3A_205 : i32
        %add3A_207 = arith.constant 3 : i32
        %add3A_208 = arith.addi %mul3A_206, %add3A_207 : i32
        %mul3A_209 = arith.constant 16 : i32
        %mul3A_210 = arith.muli %add3A_208, %mul3A_209 : i32
        %get3A_211 = arith.index_cast %mul3A_210 : i32 to index
        %get3A_212 = tpu.vector_load %arg7[%get3A_211] {strides = array<i32>} : memref<32768xi32, #tpu.memory_space<vmem>>, vector<16xi32>,
        %shift_right_logical3A_213 = arith.constant 21 : i32
        %shift_right_logical3A_214 = vector.broadcast %shift_right_logical3A_213 : i32 to vector<16xi32>
        %shift_right_logical3A_215 = arith.shrui %get3A_212, %shift_right_logical3A_214 : vector<16xi32>
        %shift_right_logical3A_216 = arith.constant 10 : i32
        %shift_right_logical3A_217 = vector.broadcast %shift_right_logical3A_216 : i32 to vector<16xi32>
        %shift_right_logical3A_218 = arith.shrui %get3A_212, %shift_right_logical3A_217 : vector<16xi32>
        %and3A_219 = arith.constant 2047 : i32
        %and3A_220 = vector.broadcast %and3A_219 : i32 to vector<16xi32>
        %and3A_221 = arith.andi %shift_right_logical3A_218, %and3A_220 : vector<16xi32>
        %eq3A_222 = vector.broadcast %reduce_max3A_51 : i32 to vector<16xi32>
        %eq3A_223 = arith.cmpi eq, %shift_right_logical3A_215, %eq3A_222 : vector<16xi32>
        %mul3A_224 = arith.constant 16 : i32
        %mul3A_225 = arith.muli %add3A_208, %mul3A_224 : i32
        %add3A_226 = vector.broadcast %mul3A_225 : i32 to vector<16xi32>
        %add3A_227 = arith.addi %iota3A, %add3A_226 : vector<16xi32>
        tpu.vector_store_idx %arg9[%and3A_221], %broadcast_in_dim3A_4 masked %eq3A_223 {add = true} : memref<2048xi32, #tpu.memory_space<vmem>>[vector<16xi32>], vector<16xi32>, vector<16xi1>
        tpu.vector_store_idx %arg10[%and3A_221], %add3A_227 masked %eq3A_223 {add = true} : memref<2048xi32, #tpu.memory_space<vmem>>[vector<16xi32>], vector<16xi32>, vector<16xi1>
      }
      %scan3A_82 = arith.constant 512 : i32
      "tpu.trace_stop"() : () -> ()
      "tpu.trace_start"() <{level = 10 : i32, message = "scan2"}> : () -> ()
      %scan3A_83 = arith.constant 0 : i32
      %scan3A_84 = arith.constant 32 : i32
      %scan3A_85 = arith.addi %scan3A_83, %scan3A_84 : i32
      %scan3A_86 = arith.constant 1 : i32
      %scan3A_87:5 = scf.for %scan3A_137 = %scan3A_83 to %scan3A_85 step %scan3A_86 iter_args(%scan3A_138 = %broadcast_in_dim3A_6, %scan3A_139 = %broadcast_in_dim3A_6, %scan3A_140 = %broadcast_in_dim3A_6, %scan3A_141 = %broadcast_in_dim3A_6, %scan3A_142 = %broadcast_in_dim3A_6) -> (vector<16xi32>, vector<16xi32>, vector<16xi32>, vector<16xi32>, vector<16xi32>)  : i32 {
        %mul3A_143 = arith.constant 4 : i32
        %mul3A_144 = arith.muli %scan3A_137, %mul3A_143 : i32
        %add3A_145 = arith.constant 0 : i32
        %add3A_146 = arith.addi %mul3A_144, %add3A_145 : i32
        %mul3A_147 = arith.constant 16 : i32
        %mul3A_148 = arith.muli %add3A_146, %mul3A_147 : i32
        %get3A_149 = arith.index_cast %mul3A_148 : i32 to index
        %get3A_150 = tpu.vector_load %arg9[%get3A_149] {strides = array<i32>} : memref<2048xi32, #tpu.memory_space<vmem>>, vector<16xi32>,
        %mul3A_151 = arith.constant 16 : i32
        %mul3A_152 = arith.muli %add3A_146, %mul3A_151 : i32
        %get3A_153 = arith.index_cast %mul3A_152 : i32 to index
        %get3A_154 = tpu.vector_load %arg10[%get3A_153] {strides = array<i32>} : memref<2048xi32, #tpu.memory_space<vmem>>, vector<16xi32>,
        %mul3A_155 = arith.constant 16 : i32
        %mul3A_156 = arith.muli %add3A_146, %mul3A_155 : i32
        %swap3A_157 = arith.index_cast %mul3A_156 : i32 to index
        %swap3A_158 = tpu.vector_load %arg9[%swap3A_157] {strides = array<i32>} : memref<2048xi32, #tpu.memory_space<vmem>>, vector<16xi32>,
        tpu.vector_store %arg9[%swap3A_157], %broadcast_in_dim3A_6 {strides = array<i32>} : memref<2048xi32, #tpu.memory_space<vmem>>, vector<16xi32>,
        %mul3A_159 = arith.constant 16 : i32
        %mul3A_160 = arith.muli %add3A_146, %mul3A_159 : i32
        %swap3A_161 = arith.index_cast %mul3A_160 : i32 to index
        %swap3A_162 = tpu.vector_load %arg10[%swap3A_161] {strides = array<i32>} : memref<2048xi32, #tpu.memory_space<vmem>>, vector<16xi32>,
        tpu.vector_store %arg10[%swap3A_161], %broadcast_in_dim3A_6 {strides = array<i32>} : memref<2048xi32, #tpu.memory_space<vmem>>, vector<16xi32>,
        %broadcast_in_dim3A_163 = arith.constant true
        %broadcast_in_dim3A_164 = vector.broadcast %broadcast_in_dim3A_163 : i1 to vector<16xi1>
        %masked_cumsum3A = tpu.scan <sum>, %get3A_150 masked %broadcast_in_dim3A_164 : vector<16xi32>, vector<16xi1> -> vector<16xi32>
        %add3A_165 = arith.addi %masked_cumsum3A, %scan3A_138 : vector<16xi32>
        %sub3A_166 = arith.subi %add3A_165, %get3A_150 : vector<16xi32>
        %ge3A = arith.cmpi sge, %add3A_165, %sub3A_76 : vector<16xi32>
        %lt3A_167 = arith.cmpi slt, %sub3A_166, %sub3A_76 : vector<16xi32>
        %and3A = arith.andi %ge3A, %lt3A_167 : vector<16xi1>
        %mul3A_168 = arith.constant 16 : i32
        %mul3A_169 = arith.muli %add3A_146, %mul3A_168 : i32
        %add3A_170 = vector.broadcast %mul3A_169 : i32 to vector<16xi32>
        %add3A_171 = arith.addi %iota3A, %add3A_170 : vector<16xi32>
        %jit3A = arith.constant 0 : i32
        %broadcast_in_dim3A_172 = vector.broadcast %jit3A : i32 to vector<16xi32>
        %select_n3A_173 = arith.select %and3A, %add3A_171, %broadcast_in_dim3A_172 : vector<16xi1>, vector<16xi32>
        %add3A_174 = arith.addi %scan3A_139, %select_n3A_173 : vector<16xi32>
        %jit3A_175 = arith.constant 0 : i32
        %broadcast_in_dim3A_176 = vector.broadcast %jit3A_175 : i32 to vector<16xi32>
        %select_n3A_177 = arith.select %and3A, %sub3A_166, %broadcast_in_dim3A_176 : vector<16xi1>, vector<16xi32>
        %add3A_178 = arith.addi %scan3A_140, %select_n3A_177 : vector<16xi32>
        %jit3A_179 = arith.constant 0 : i32
        %broadcast_in_dim3A_180 = vector.broadcast %jit3A_179 : i32 to vector<16xi32>
        %select_n3A_181 = arith.select %and3A, %get3A_150, %broadcast_in_dim3A_180 : vector<16xi1>, vector<16xi32>
        %add3A_182 = arith.addi %scan3A_141, %select_n3A_181 : vector<16xi32>
        %jit3A_183 = arith.constant 0 : i32
        %broadcast_in_dim3A_184 = vector.broadcast %jit3A_183 : i32 to vector<16xi32>
        %select_n3A_185 = arith.select %and3A, %get3A_154, %broadcast_in_dim3A_184 : vector<16xi1>, vector<16xi32>
        %add3A_186 = arith.addi %scan3A_142, %select_n3A_185 : vector<16xi32>
        %reduce_max3A_187 = arith.constant true
        %reduce_max3A_188 = vector.broadcast %reduce_max3A_187 : i1 to vector<16xi1>
        %reduce_max3A_189 = arith.constant -2147483648 : i32
        %reduce_max3A_190 = vector.broadcast %reduce_max3A_189 : i32 to vector<16xi32>
        %reduce_max3A_191 = arith.xori %masked_cumsum3A, %reduce_max3A_190 : vector<16xi32>
        %reduce_max3A_192 = tpu.scan <max>, %reduce_max3A_191 masked %reduce_max3A_188 : vector<16xi32>, vector<16xi1> -> vector<16xi32>
        %reduce_max3A_193 = arith.xori %reduce_max3A_192, %reduce_max3A_190 : vector<16xi32>
        %reduce_max3A_194 = vector.extract %reduce_max3A_193[15] : i32 from vector<16xi32>
        %add3A_195 = vector.broadcast %reduce_max3A_194 : i32 to vector<16xi32>
        %add3A_196 = arith.addi %scan3A_138, %add3A_195 : vector<16xi32>
        %mul3A_197 = arith.constant 4 : i32
        %mul3A_198 = arith.muli %scan3A_137, %mul3A_197 : i32
        %add3A_199 = arith.constant 1 : i32
        %add3A_200 = arith.addi %mul3A_198, %add3A_199 : i32
        %mul3A_201 = arith.constant 16 : i32
        %mul3A_202 = arith.muli %add3A_200, %mul3A_201 : i32
        %get3A_203 = arith.index_cast %mul3A_202 : i32 to index
        %get3A_204 = tpu.vector_load %arg9[%get3A_203] {strides = array<i32>} : memref<2048xi32, #tpu.memory_space<vmem>>, vector<16xi32>,
        %mul3A_205 = arith.constant 16 : i32
        %mul3A_206 = arith.muli %add3A_200, %mul3A_205 : i32
        %get3A_207 = arith.index_cast %mul3A_206 : i32 to index
        %get3A_208 = tpu.vector_load %arg10[%get3A_207] {strides = array<i32>} : memref<2048xi32, #tpu.memory_space<vmem>>, vector<16xi32>,
        %mul3A_209 = arith.constant 16 : i32
        %mul3A_210 = arith.muli %add3A_200, %mul3A_209 : i32
        %swap3A_211 = arith.index_cast %mul3A_210 : i32 to index
        %swap3A_212 = tpu.vector_load %arg9[%swap3A_211] {strides = array<i32>} : memref<2048xi32, #tpu.memory_space<vmem>>, vector<16xi32>,
        tpu.vector_store %arg9[%swap3A_211], %broadcast_in_dim3A_6 {strides = array<i32>} : memref<2048xi32, #tpu.memory_space<vmem>>, vector<16xi32>,
        %mul3A_213 = arith.constant 16 : i32
        %mul3A_214 = arith.muli %add3A_200, %mul3A_213 : i32
        %swap3A_215 = arith.index_cast %mul3A_214 : i32 to index
        %swap3A_216 = tpu.vector_load %arg10[%swap3A_215] {strides = array<i32>} : memref<2048xi32, #tpu.memory_space<vmem>>, vector<16xi32>,
        tpu.vector_store %arg10[%swap3A_215], %broadcast_in_dim3A_6 {strides = array<i32>} : memref<2048xi32, #tpu.memory_space<vmem>>, vector<16xi32>,
        %broadcast_in_dim3A_217 = arith.constant true
        %broadcast_in_dim3A_218 = vector.broadcast %broadcast_in_dim3A_217 : i1 to vector<16xi1>
        %masked_cumsum3A_219 = tpu.scan <sum>, %get3A_204 masked %broadcast_in_dim3A_218 : vector<16xi32>, vector<16xi1> -> vector<16xi32>
        %add3A_220 = arith.addi %masked_cumsum3A_219, %add3A_196 : vector<16xi32>
        %sub3A_221 = arith.subi %add3A_220, %get3A_204 : vector<16xi32>
        %ge3A_222 = arith.cmpi sge, %add3A_220, %sub3A_76 : vector<16xi32>
        %lt3A_223 = arith.cmpi slt, %sub3A_221, %sub3A_76 : vector<16xi32>
        %and3A_224 = arith.andi %ge3A_222, %lt3A_223 : vector<16xi1>
        %mul3A_225 = arith.constant 16 : i32
        %mul3A_226 = arith.muli %add3A_200, %mul3A_225 : i32
        %add3A_227 = vector.broadcast %mul3A_226 : i32 to vector<16xi32>
        %add3A_228 = arith.addi %iota3A, %add3A_227 : vector<16xi32>
        %jit3A_229 = arith.constant 0 : i32
        %broadcast_in_dim3A_230 = vector.broadcast %jit3A_229 : i32 to vector<16xi32>
        %select_n3A_231 = arith.select %and3A_224, %add3A_228, %broadcast_in_dim3A_230 : vector<16xi1>, vector<16xi32>
        %add3A_232 = arith.addi %add3A_174, %select_n3A_231 : vector<16xi32>
        %jit3A_233 = arith.constant 0 : i32
        %broadcast_in_dim3A_234 = vector.broadcast %jit3A_233 : i32 to vector<16xi32>
        %select_n3A_235 = arith.select %and3A_224, %sub3A_221, %broadcast_in_dim3A_234 : vector<16xi1>, vector<16xi32>
        %add3A_236 = arith.addi %add3A_178, %select_n3A_235 : vector<16xi32>
        %jit3A_237 = arith.constant 0 : i32
        %broadcast_in_dim3A_238 = vector.broadcast %jit3A_237 : i32 to vector<16xi32>
        %select_n3A_239 = arith.select %and3A_224, %get3A_204, %broadcast_in_dim3A_238 : vector<16xi1>, vector<16xi32>
        %add3A_240 = arith.addi %add3A_182, %select_n3A_239 : vector<16xi32>
        %jit3A_241 = arith.constant 0 : i32
        %broadcast_in_dim3A_242 = vector.broadcast %jit3A_241 : i32 to vector<16xi32>
        %select_n3A_243 = arith.select %and3A_224, %get3A_208, %broadcast_in_dim3A_242 : vector<16xi1>, vector<16xi32>
        %add3A_244 = arith.addi %add3A_186, %select_n3A_243 : vector<16xi32>
        %reduce_max3A_245 = arith.constant true
        %reduce_max3A_246 = vector.broadcast %reduce_max3A_245 : i1 to vector<16xi1>
        %reduce_max3A_247 = arith.constant -2147483648 : i32
        %reduce_max3A_248 = vector.broadcast %reduce_max3A_247 : i32 to vector<16xi32>
        %reduce_max3A_249 = arith.xori %masked_cumsum3A_219, %reduce_max3A_248 : vector<16xi32>
        %reduce_max3A_250 = tpu.scan <max>, %reduce_max3A_249 masked %reduce_max3A_246 : vector<16xi32>, vector<16xi1> -> vector<16xi32>
        %reduce_max3A_251 = arith.xori %reduce_max3A_250, %reduce_max3A_248 : vector<16xi32>
        %reduce_max3A_252 = vector.extract %reduce_max3A_251[15] : i32 from vector<16xi32>
        %add3A_253 = vector.broadcast %reduce_max3A_252 : i32 to vector<16xi32>
        %add3A_254 = arith.addi %add3A_196, %add3A_253 : vector<16xi32>
        %mul3A_255 = arith.constant 4 : i32
        %mul3A_256 = arith.muli %scan3A_137, %mul3A_255 : i32
        %add3A_257 = arith.constant 2 : i32
        %add3A_258 = arith.addi %mul3A_256, %add3A_257 : i32
        %mul3A_259 = arith.constant 16 : i32
        %mul3A_260 = arith.muli %add3A_258, %mul3A_259 : i32
        %get3A_261 = arith.index_cast %mul3A_260 : i32 to index
        %get3A_262 = tpu.vector_load %arg9[%get3A_261] {strides = array<i32>} : memref<2048xi32, #tpu.memory_space<vmem>>, vector<16xi32>,
        %mul3A_263 = arith.constant 16 : i32
        %mul3A_264 = arith.muli %add3A_258, %mul3A_263 : i32
        %get3A_265 = arith.index_cast %mul3A_264 : i32 to index
        %get3A_266 = tpu.vector_load %arg10[%get3A_265] {strides = array<i32>} : memref<2048xi32, #tpu.memory_space<vmem>>, vector<16xi32>,
        %mul3A_267 = arith.constant 16 : i32
        %mul3A_268 = arith.muli %add3A_258, %mul3A_267 : i32
        %swap3A_269 = arith.index_cast %mul3A_268 : i32 to index
        %swap3A_270 = tpu.vector_load %arg9[%swap3A_269] {strides = array<i32>} : memref<2048xi32, #tpu.memory_space<vmem>>, vector<16xi32>,
        tpu.vector_store %arg9[%swap3A_269], %broadcast_in_dim3A_6 {strides = array<i32>} : memref<2048xi32, #tpu.memory_space<vmem>>, vector<16xi32>,
        %mul3A_271 = arith.constant 16 : i32
        %mul3A_272 = arith.muli %add3A_258, %mul3A_271 : i32
        %swap3A_273 = arith.index_cast %mul3A_272 : i32 to index
        %swap3A_274 = tpu.vector_load %arg10[%swap3A_273] {strides = array<i32>} : memref<2048xi32, #tpu.memory_space<vmem>>, vector<16xi32>,
        tpu.vector_store %arg10[%swap3A_273], %broadcast_in_dim3A_6 {strides = array<i32>} : memref<2048xi32, #tpu.memory_space<vmem>>, vector<16xi32>,
        %broadcast_in_dim3A_275 = arith.constant true
        %broadcast_in_dim3A_276 = vector.broadcast %broadcast_in_dim3A_275 : i1 to vector<16xi1>
        %masked_cumsum3A_277 = tpu.scan <sum>, %get3A_262 masked %broadcast_in_dim3A_276 : vector<16xi32>, vector<16xi1> -> vector<16xi32>
        %add3A_278 = arith.addi %masked_cumsum3A_277, %add3A_254 : vector<16xi32>
        %sub3A_279 = arith.subi %add3A_278, %get3A_262 : vector<16xi32>
        %ge3A_280 = arith.cmpi sge, %add3A_278, %sub3A_76 : vector<16xi32>
        %lt3A_281 = arith.cmpi slt, %sub3A_279, %sub3A_76 : vector<16xi32>
        %and3A_282 = arith.andi %ge3A_280, %lt3A_281 : vector<16xi1>
        %mul3A_283 = arith.constant 16 : i32
        %mul3A_284 = arith.muli %add3A_258, %mul3A_283 : i32
        %add3A_285 = vector.broadcast %mul3A_284 : i32 to vector<16xi32>
        %add3A_286 = arith.addi %iota3A, %add3A_285 : vector<16xi32>
        %jit3A_287 = arith.constant 0 : i32
        %broadcast_in_dim3A_288 = vector.broadcast %jit3A_287 : i32 to vector<16xi32>
        %select_n3A_289 = arith.select %and3A_282, %add3A_286, %broadcast_in_dim3A_288 : vector<16xi1>, vector<16xi32>
        %add3A_290 = arith.addi %add3A_232, %select_n3A_289 : vector<16xi32>
        %jit3A_291 = arith.constant 0 : i32
        %broadcast_in_dim3A_292 = vector.broadcast %jit3A_291 : i32 to vector<16xi32>
        %select_n3A_293 = arith.select %and3A_282, %sub3A_279, %broadcast_in_dim3A_292 : vector<16xi1>, vector<16xi32>
        %add3A_294 = arith.addi %add3A_236, %select_n3A_293 : vector<16xi32>
        %jit3A_295 = arith.constant 0 : i32
        %broadcast_in_dim3A_296 = vector.broadcast %jit3A_295 : i32 to vector<16xi32>
        %select_n3A_297 = arith.select %and3A_282, %get3A_262, %broadcast_in_dim3A_296 : vector<16xi1>, vector<16xi32>
        %add3A_298 = arith.addi %add3A_240, %select_n3A_297 : vector<16xi32>
        %jit3A_299 = arith.constant 0 : i32
        %broadcast_in_dim3A_300 = vector.broadcast %jit3A_299 : i32 to vector<16xi32>
        %select_n3A_301 = arith.select %and3A_282, %get3A_266, %broadcast_in_dim3A_300 : vector<16xi1>, vector<16xi32>
        %add3A_302 = arith.addi %add3A_244, %select_n3A_301 : vector<16xi32>
        %reduce_max3A_303 = arith.constant true
        %reduce_max3A_304 = vector.broadcast %reduce_max3A_303 : i1 to vector<16xi1>
        %reduce_max3A_305 = arith.constant -2147483648 : i32
        %reduce_max3A_306 = vector.broadcast %reduce_max3A_305 : i32 to vector<16xi32>
        %reduce_max3A_307 = arith.xori %masked_cumsum3A_277, %reduce_max3A_306 : vector<16xi32>
        %reduce_max3A_308 = tpu.scan <max>, %reduce_max3A_307 masked %reduce_max3A_304 : vector<16xi32>, vector<16xi1> -> vector<16xi32>
        %reduce_max3A_309 = arith.xori %reduce_max3A_308, %reduce_max3A_306 : vector<16xi32>
        %reduce_max3A_310 = vector.extract %reduce_max3A_309[15] : i32 from vector<16xi32>
        %add3A_311 = vector.broadcast %reduce_max3A_310 : i32 to vector<16xi32>
        %add3A_312 = arith.addi %add3A_254, %add3A_311 : vector<16xi32>
        %mul3A_313 = arith.constant 4 : i32
        %mul3A_314 = arith.muli %scan3A_137, %mul3A_313 : i32
        %add3A_315 = arith.constant 3 : i32
        %add3A_316 = arith.addi %mul3A_314, %add3A_315 : i32
        %mul3A_317 = arith.constant 16 : i32
        %mul3A_318 = arith.muli %add3A_316, %mul3A_317 : i32
        %get3A_319 = arith.index_cast %mul3A_318 : i32 to index
        %get3A_320 = tpu.vector_load %arg9[%get3A_319] {strides = array<i32>} : memref<2048xi32, #tpu.memory_space<vmem>>, vector<16xi32>,
        %mul3A_321 = arith.constant 16 : i32
        %mul3A_322 = arith.muli %add3A_316, %mul3A_321 : i32
        %get3A_323 = arith.index_cast %mul3A_322 : i32 to index
        %get3A_324 = tpu.vector_load %arg10[%get3A_323] {strides = array<i32>} : memref<2048xi32, #tpu.memory_space<vmem>>, vector<16xi32>,
        %mul3A_325 = arith.constant 16 : i32
        %mul3A_326 = arith.muli %add3A_316, %mul3A_325 : i32
        %swap3A_327 = arith.index_cast %mul3A_326 : i32 to index
        %swap3A_328 = tpu.vector_load %arg9[%swap3A_327] {strides = array<i32>} : memref<2048xi32, #tpu.memory_space<vmem>>, vector<16xi32>,
        tpu.vector_store %arg9[%swap3A_327], %broadcast_in_dim3A_6 {strides = array<i32>} : memref<2048xi32, #tpu.memory_space<vmem>>, vector<16xi32>,
        %mul3A_329 = arith.constant 16 : i32
        %mul3A_330 = arith.muli %add3A_316, %mul3A_329 : i32
        %swap3A_331 = arith.index_cast %mul3A_330 : i32 to index
        %swap3A_332 = tpu.vector_load %arg10[%swap3A_331] {strides = array<i32>} : memref<2048xi32, #tpu.memory_space<vmem>>, vector<16xi32>,
        tpu.vector_store %arg10[%swap3A_331], %broadcast_in_dim3A_6 {strides = array<i32>} : memref<2048xi32, #tpu.memory_space<vmem>>, vector<16xi32>,
        %broadcast_in_dim3A_333 = arith.constant true
        %broadcast_in_dim3A_334 = vector.broadcast %broadcast_in_dim3A_333 : i1 to vector<16xi1>
        %masked_cumsum3A_335 = tpu.scan <sum>, %get3A_320 masked %broadcast_in_dim3A_334 : vector<16xi32>, vector<16xi1> -> vector<16xi32>
        %add3A_336 = arith.addi %masked_cumsum3A_335, %add3A_312 : vector<16xi32>
        %sub3A_337 = arith.subi %add3A_336, %get3A_320 : vector<16xi32>
        %ge3A_338 = arith.cmpi sge, %add3A_336, %sub3A_76 : vector<16xi32>
        %lt3A_339 = arith.cmpi slt, %sub3A_337, %sub3A_76 : vector<16xi32>
        %and3A_340 = arith.andi %ge3A_338, %lt3A_339 : vector<16xi1>
        %mul3A_341 = arith.constant 16 : i32
        %mul3A_342 = arith.muli %add3A_316, %mul3A_341 : i32
        %add3A_343 = vector.broadcast %mul3A_342 : i32 to vector<16xi32>
        %add3A_344 = arith.addi %iota3A, %add3A_343 : vector<16xi32>
        %jit3A_345 = arith.constant 0 : i32
        %broadcast_in_dim3A_346 = vector.broadcast %jit3A_345 : i32 to vector<16xi32>
        %select_n3A_347 = arith.select %and3A_340, %add3A_344, %broadcast_in_dim3A_346 : vector<16xi1>, vector<16xi32>
        %add3A_348 = arith.addi %add3A_290, %select_n3A_347 : vector<16xi32>
        %jit3A_349 = arith.constant 0 : i32
        %broadcast_in_dim3A_350 = vector.broadcast %jit3A_349 : i32 to vector<16xi32>
        %select_n3A_351 = arith.select %and3A_340, %sub3A_337, %broadcast_in_dim3A_350 : vector<16xi1>, vector<16xi32>
        %add3A_352 = arith.addi %add3A_294, %select_n3A_351 : vector<16xi32>
        %jit3A_353 = arith.constant 0 : i32
        %broadcast_in_dim3A_354 = vector.broadcast %jit3A_353 : i32 to vector<16xi32>
        %select_n3A_355 = arith.select %and3A_340, %get3A_320, %broadcast_in_dim3A_354 : vector<16xi1>, vector<16xi32>
        %add3A_356 = arith.addi %add3A_298, %select_n3A_355 : vector<16xi32>
        %jit3A_357 = arith.constant 0 : i32
        %broadcast_in_dim3A_358 = vector.broadcast %jit3A_357 : i32 to vector<16xi32>
        %select_n3A_359 = arith.select %and3A_340, %get3A_324, %broadcast_in_dim3A_358 : vector<16xi1>, vector<16xi32>
        %add3A_360 = arith.addi %add3A_302, %select_n3A_359 : vector<16xi32>
        %reduce_max3A_361 = arith.constant true
        %reduce_max3A_362 = vector.broadcast %reduce_max3A_361 : i1 to vector<16xi1>
        %reduce_max3A_363 = arith.constant -2147483648 : i32
        %reduce_max3A_364 = vector.broadcast %reduce_max3A_363 : i32 to vector<16xi32>
        %reduce_max3A_365 = arith.xori %masked_cumsum3A_335, %reduce_max3A_364 : vector<16xi32>
        %reduce_max3A_366 = tpu.scan <max>, %reduce_max3A_365 masked %reduce_max3A_362 : vector<16xi32>, vector<16xi1> -> vector<16xi32>
        %reduce_max3A_367 = arith.xori %reduce_max3A_366, %reduce_max3A_364 : vector<16xi32>
        %reduce_max3A_368 = vector.extract %reduce_max3A_367[15] : i32 from vector<16xi32>
        %add3A_369 = vector.broadcast %reduce_max3A_368 : i32 to vector<16xi32>
        %add3A_370 = arith.addi %add3A_312, %add3A_369 : vector<16xi32>
        scf.yield %add3A_370, %add3A_348, %add3A_352, %add3A_356, %add3A_360 : vector<16xi32>, vector<16xi32>, vector<16xi32>, vector<16xi32>, vector<16xi32>
      }
      %scan3A_88 = arith.constant 32 : i32
      %reduce_max3A_89 = arith.constant true
      %reduce_max3A_90 = vector.broadcast %reduce_max3A_89 : i1 to vector<16xi1>
      %reduce_max3A_91 = arith.constant -2147483648 : i32
      %reduce_max3A_92 = vector.broadcast %reduce_max3A_91 : i32 to vector<16xi32>
      %reduce_max3A_93 = arith.xori %scan3A_87#1, %reduce_max3A_92 : vector<16xi32>
      %reduce_max3A_94 = tpu.scan <max>, %reduce_max3A_93 masked %reduce_max3A_90 : vector<16xi32>, vector<16xi1> -> vector<16xi32>
      %reduce_max3A_95 = arith.xori %reduce_max3A_94, %reduce_max3A_92 : vector<16xi32>
      %reduce_max3A_96 = vector.extract %reduce_max3A_95[15] : i32 from vector<16xi32>
      %reduce_max3A_97 = arith.constant true
      %reduce_max3A_98 = vector.broadcast %reduce_max3A_97 : i1 to vector<16xi1>
      %reduce_max3A_99 = arith.constant -2147483648 : i32
      %reduce_max3A_100 = vector.broadcast %reduce_max3A_99 : i32 to vector<16xi32>
      %reduce_max3A_101 = arith.xori %scan3A_87#2, %reduce_max3A_100 : vector<16xi32>
      %reduce_max3A_102 = tpu.scan <max>, %reduce_max3A_101 masked %reduce_max3A_98 : vector<16xi32>, vector<16xi1> -> vector<16xi32>
      %reduce_max3A_103 = arith.xori %reduce_max3A_102, %reduce_max3A_100 : vector<16xi32>
      %reduce_max3A_104 = vector.extract %reduce_max3A_103[15] : i32 from vector<16xi32>
      %reduce_max3A_105 = arith.constant true
      %reduce_max3A_106 = vector.broadcast %reduce_max3A_105 : i1 to vector<16xi1>
      %reduce_max3A_107 = arith.constant -2147483648 : i32
      %reduce_max3A_108 = vector.broadcast %reduce_max3A_107 : i32 to vector<16xi32>
      %reduce_max3A_109 = arith.xori %scan3A_87#3, %reduce_max3A_108 : vector<16xi32>
      %reduce_max3A_110 = tpu.scan <max>, %reduce_max3A_109 masked %reduce_max3A_106 : vector<16xi32>, vector<16xi1> -> vector<16xi32>
      %reduce_max3A_111 = arith.xori %reduce_max3A_110, %reduce_max3A_108 : vector<16xi32>
      %reduce_max3A_112 = vector.extract %reduce_max3A_111[15] : i32 from vector<16xi32>
      %reduce_max3A_113 = arith.constant true
      %reduce_max3A_114 = vector.broadcast %reduce_max3A_113 : i1 to vector<16xi1>
      %reduce_max3A_115 = arith.constant -2147483648 : i32
      %reduce_max3A_116 = vector.broadcast %reduce_max3A_115 : i32 to vector<16xi32>
      %reduce_max3A_117 = arith.xori %scan3A_87#4, %reduce_max3A_116 : vector<16xi32>
      %reduce_max3A_118 = tpu.scan <max>, %reduce_max3A_117 masked %reduce_max3A_114 : vector<16xi32>, vector<16xi1> -> vector<16xi32>
      %reduce_max3A_119 = arith.xori %reduce_max3A_118, %reduce_max3A_116 : vector<16xi32>
      %reduce_max3A_120 = vector.extract %reduce_max3A_119[15] : i32 from vector<16xi32>
      "tpu.trace_stop"() : () -> ()
      %sub3A_121 = vector.broadcast %reduce_max3A_104 : i32 to vector<16xi32>
      %sub3A_122 = arith.subi %sub3A_76, %sub3A_121 : vector<16xi32>
      %eq3A = arith.constant 1 : i32
      "tpu.trace_start"() <{level = 10 : i32, message = "resolve"}> : () -> ()
      %eq3A_123 = arith.cmpi eq, %reduce_max3A_112, %eq3A : i32
      %convert_element_type3A = arith.extui %eq3A_123 : i1 to i32
      %cond3A = arith.constant 0 : i32
      %cond3A_124 = arith.constant 0 : i32
      %cond3A_125 = arith.cmpi ne, %convert_element_type3A, %cond3A_124 : i32
      %cond3A_126:2 = scf.if %cond3A_125 -> (vector<16xi32>, i32) {
        %broadcast_in_dim3A_137 = vector.broadcast %reduce_max3A_120 : i32 to vector<16xi32>
        %gather3A = tpu.vector_load_idx %arg7[%broadcast_in_dim3A_137] : memref<32768xi32, #tpu.memory_space<vmem>>[vector<16xi32>], vector<16xi32>,
        scf.yield %gather3A, %reduce_max3A_120 : vector<16xi32>, i32
      } else {
        %scan3A_137 = arith.constant 0 : i32
        %scan3A_138 = arith.constant 0 : i32
        %scan3A_139 = arith.constant 64 : i32
        %scan3A_140 = arith.addi %scan3A_138, %scan3A_139 : i32
        %scan3A_141 = arith.constant 1 : i32
        scf.for %scan3A_199 = %scan3A_138 to %scan3A_140 step %scan3A_141  : i32 {
          %mul3A_200 = arith.constant 16 : i32
          %mul3A_201 = arith.muli %scan3A_199, %mul3A_200 : i32
          %swap3A_202 = arith.index_cast %mul3A_201 : i32 to index
          %swap3A_203 = tpu.vector_load %arg11[%swap3A_202] {strides = array<i32>} : memref<1024xi32, #tpu.memory_space<vmem>>, vector<16xi32>,
          tpu.vector_store %arg11[%swap3A_202], %broadcast_in_dim3A_6 {strides = array<i32>} : memref<1024xi32, #tpu.memory_space<vmem>>, vector<16xi32>,
          %mul3A_204 = arith.constant 16 : i32
          %mul3A_205 = arith.muli %scan3A_199, %mul3A_204 : i32
          %swap3A_206 = arith.index_cast %mul3A_205 : i32 to index
          %swap3A_207 = tpu.vector_load %arg12[%swap3A_206] {strides = array<i32>} : memref<1024xi32, #tpu.memory_space<vmem>>, vector<16xi32>,
          tpu.vector_store %arg12[%swap3A_206], %broadcast_in_dim3A_6 {strides = array<i32>} : memref<1024xi32, #tpu.memory_space<vmem>>, vector<16xi32>,
        }
        %scan3A_142 = arith.constant 64 : i32
        %scan3A_143 = arith.constant 0 : i32
        %scan3A_144 = arith.constant 0 : i32
        %scan3A_145 = arith.constant 512 : i32
        %scan3A_146 = arith.addi %scan3A_144, %scan3A_145 : i32
        %scan3A_147 = arith.constant 1 : i32
        scf.for %scan3A_199 = %scan3A_144 to %scan3A_146 step %scan3A_147  : i32 {
          %mul3A_200 = arith.constant 4 : i32
          %mul3A_201 = arith.muli %scan3A_199, %mul3A_200 : i32
          %add3A_202 = arith.constant 0 : i32
          %add3A_203 = arith.addi %mul3A_201, %add3A_202 : i32
          %mul3A_204 = arith.constant 16 : i32
          %mul3A_205 = arith.muli %add3A_203, %mul3A_204 : i32
          %get3A_206 = arith.index_cast %mul3A_205 : i32 to index
          %get3A_207 = tpu.vector_load %arg7[%get3A_206] {strides = array<i32>} : memref<32768xi32, #tpu.memory_space<vmem>>, vector<16xi32>,
          %shift_right_logical3A = arith.constant 21 : i32
          %shift_right_logical3A_208 = vector.broadcast %shift_right_logical3A : i32 to vector<16xi32>
          %shift_right_logical3A_209 = arith.shrui %get3A_207, %shift_right_logical3A_208 : vector<16xi32>
          %shift_right_logical3A_210 = arith.constant 10 : i32
          %shift_right_logical3A_211 = vector.broadcast %shift_right_logical3A_210 : i32 to vector<16xi32>
          %shift_right_logical3A_212 = arith.shrui %get3A_207, %shift_right_logical3A_211 : vector<16xi32>
          %and3A = arith.constant 2047 : i32
          %and3A_213 = vector.broadcast %and3A : i32 to vector<16xi32>
          %and3A_214 = arith.andi %shift_right_logical3A_212, %and3A_213 : vector<16xi32>
          %and3A_215 = arith.constant 1023 : i32
          %and3A_216 = vector.broadcast %and3A_215 : i32 to vector<16xi32>
          %and3A_217 = arith.andi %get3A_207, %and3A_216 : vector<16xi32>
          %eq3A_218 = vector.broadcast %reduce_max3A_51 : i32 to vector<16xi32>
          %eq3A_219 = arith.cmpi eq, %shift_right_logical3A_209, %eq3A_218 : vector<16xi32>
          %eq3A_220 = vector.broadcast %reduce_max3A_96 : i32 to vector<16xi32>
          %eq3A_221 = arith.cmpi eq, %and3A_214, %eq3A_220 : vector<16xi32>
          %and3A_222 = arith.andi %eq3A_219, %eq3A_221 : vector<16xi1>
          %mul3A_223 = arith.constant 16 : i32
          %mul3A_224 = arith.muli %add3A_203, %mul3A_223 : i32
          %add3A_225 = vector.broadcast %mul3A_224 : i32 to vector<16xi32>
          %add3A_226 = arith.addi %iota3A, %add3A_225 : vector<16xi32>
          tpu.vector_store_idx %arg11[%and3A_217], %broadcast_in_dim3A_4 masked %and3A_222 {add = true} : memref<1024xi32, #tpu.memory_space<vmem>>[vector<16xi32>], vector<16xi32>, vector<16xi1>
          tpu.vector_store_idx %arg12[%and3A_217], %add3A_226 masked %and3A_222 {add = true} : memref<1024xi32, #tpu.memory_space<vmem>>[vector<16xi32>], vector<16xi32>, vector<16xi1>
          %mul3A_227 = arith.constant 4 : i32
          %mul3A_228 = arith.muli %scan3A_199, %mul3A_227 : i32
          %add3A_229 = arith.constant 1 : i32
          %add3A_230 = arith.addi %mul3A_228, %add3A_229 : i32
          %mul3A_231 = arith.constant 16 : i32
          %mul3A_232 = arith.muli %add3A_230, %mul3A_231 : i32
          %get3A_233 = arith.index_cast %mul3A_232 : i32 to index
          %get3A_234 = tpu.vector_load %arg7[%get3A_233] {strides = array<i32>} : memref<32768xi32, #tpu.memory_space<vmem>>, vector<16xi32>,
          %shift_right_logical3A_235 = arith.constant 21 : i32
          %shift_right_logical3A_236 = vector.broadcast %shift_right_logical3A_235 : i32 to vector<16xi32>
          %shift_right_logical3A_237 = arith.shrui %get3A_234, %shift_right_logical3A_236 : vector<16xi32>
          %shift_right_logical3A_238 = arith.constant 10 : i32
          %shift_right_logical3A_239 = vector.broadcast %shift_right_logical3A_238 : i32 to vector<16xi32>
          %shift_right_logical3A_240 = arith.shrui %get3A_234, %shift_right_logical3A_239 : vector<16xi32>
          %and3A_241 = arith.constant 2047 : i32
          %and3A_242 = vector.broadcast %and3A_241 : i32 to vector<16xi32>
          %and3A_243 = arith.andi %shift_right_logical3A_240, %and3A_242 : vector<16xi32>
          %and3A_244 = arith.constant 1023 : i32
          %and3A_245 = vector.broadcast %and3A_244 : i32 to vector<16xi32>
          %and3A_246 = arith.andi %get3A_234, %and3A_245 : vector<16xi32>
          %eq3A_247 = vector.broadcast %reduce_max3A_51 : i32 to vector<16xi32>
          %eq3A_248 = arith.cmpi eq, %shift_right_logical3A_237, %eq3A_247 : vector<16xi32>
          %eq3A_249 = vector.broadcast %reduce_max3A_96 : i32 to vector<16xi32>
          %eq3A_250 = arith.cmpi eq, %and3A_243, %eq3A_249 : vector<16xi32>
          %and3A_251 = arith.andi %eq3A_248, %eq3A_250 : vector<16xi1>
          %mul3A_252 = arith.constant 16 : i32
          %mul3A_253 = arith.muli %add3A_230, %mul3A_252 : i32
          %add3A_254 = vector.broadcast %mul3A_253 : i32 to vector<16xi32>
          %add3A_255 = arith.addi %iota3A, %add3A_254 : vector<16xi32>
          tpu.vector_store_idx %arg11[%and3A_246], %broadcast_in_dim3A_4 masked %and3A_251 {add = true} : memref<1024xi32, #tpu.memory_space<vmem>>[vector<16xi32>], vector<16xi32>, vector<16xi1>
          tpu.vector_store_idx %arg12[%and3A_246], %add3A_255 masked %and3A_251 {add = true} : memref<1024xi32, #tpu.memory_space<vmem>>[vector<16xi32>], vector<16xi32>, vector<16xi1>
          %mul3A_256 = arith.constant 4 : i32
          %mul3A_257 = arith.muli %scan3A_199, %mul3A_256 : i32
          %add3A_258 = arith.constant 2 : i32
          %add3A_259 = arith.addi %mul3A_257, %add3A_258 : i32
          %mul3A_260 = arith.constant 16 : i32
          %mul3A_261 = arith.muli %add3A_259, %mul3A_260 : i32
          %get3A_262 = arith.index_cast %mul3A_261 : i32 to index
          %get3A_263 = tpu.vector_load %arg7[%get3A_262] {strides = array<i32>} : memref<32768xi32, #tpu.memory_space<vmem>>, vector<16xi32>,
          %shift_right_logical3A_264 = arith.constant 21 : i32
          %shift_right_logical3A_265 = vector.broadcast %shift_right_logical3A_264 : i32 to vector<16xi32>
          %shift_right_logical3A_266 = arith.shrui %get3A_263, %shift_right_logical3A_265 : vector<16xi32>
          %shift_right_logical3A_267 = arith.constant 10 : i32
          %shift_right_logical3A_268 = vector.broadcast %shift_right_logical3A_267 : i32 to vector<16xi32>
          %shift_right_logical3A_269 = arith.shrui %get3A_263, %shift_right_logical3A_268 : vector<16xi32>
          %and3A_270 = arith.constant 2047 : i32
          %and3A_271 = vector.broadcast %and3A_270 : i32 to vector<16xi32>
          %and3A_272 = arith.andi %shift_right_logical3A_269, %and3A_271 : vector<16xi32>
          %and3A_273 = arith.constant 1023 : i32
          %and3A_274 = vector.broadcast %and3A_273 : i32 to vector<16xi32>
          %and3A_275 = arith.andi %get3A_263, %and3A_274 : vector<16xi32>
          %eq3A_276 = vector.broadcast %reduce_max3A_51 : i32 to vector<16xi32>
          %eq3A_277 = arith.cmpi eq, %shift_right_logical3A_266, %eq3A_276 : vector<16xi32>
          %eq3A_278 = vector.broadcast %reduce_max3A_96 : i32 to vector<16xi32>
          %eq3A_279 = arith.cmpi eq, %and3A_272, %eq3A_278 : vector<16xi32>
          %and3A_280 = arith.andi %eq3A_277, %eq3A_279 : vector<16xi1>
          %mul3A_281 = arith.constant 16 : i32
          %mul3A_282 = arith.muli %add3A_259, %mul3A_281 : i32
          %add3A_283 = vector.broadcast %mul3A_282 : i32 to vector<16xi32>
          %add3A_284 = arith.addi %iota3A, %add3A_283 : vector<16xi32>
          tpu.vector_store_idx %arg11[%and3A_275], %broadcast_in_dim3A_4 masked %and3A_280 {add = true} : memref<1024xi32, #tpu.memory_space<vmem>>[vector<16xi32>], vector<16xi32>, vector<16xi1>
          tpu.vector_store_idx %arg12[%and3A_275], %add3A_284 masked %and3A_280 {add = true} : memref<1024xi32, #tpu.memory_space<vmem>>[vector<16xi32>], vector<16xi32>, vector<16xi1>
          %mul3A_285 = arith.constant 4 : i32
          %mul3A_286 = arith.muli %scan3A_199, %mul3A_285 : i32
          %add3A_287 = arith.constant 3 : i32
          %add3A_288 = arith.addi %mul3A_286, %add3A_287 : i32
          %mul3A_289 = arith.constant 16 : i32
          %mul3A_290 = arith.muli %add3A_288, %mul3A_289 : i32
          %get3A_291 = arith.index_cast %mul3A_290 : i32 to index
          %get3A_292 = tpu.vector_load %arg7[%get3A_291] {strides = array<i32>} : memref<32768xi32, #tpu.memory_space<vmem>>, vector<16xi32>,
          %shift_right_logical3A_293 = arith.constant 21 : i32
          %shift_right_logical3A_294 = vector.broadcast %shift_right_logical3A_293 : i32 to vector<16xi32>
          %shift_right_logical3A_295 = arith.shrui %get3A_292, %shift_right_logical3A_294 : vector<16xi32>
          %shift_right_logical3A_296 = arith.constant 10 : i32
          %shift_right_logical3A_297 = vector.broadcast %shift_right_logical3A_296 : i32 to vector<16xi32>
          %shift_right_logical3A_298 = arith.shrui %get3A_292, %shift_right_logical3A_297 : vector<16xi32>
          %and3A_299 = arith.constant 2047 : i32
          %and3A_300 = vector.broadcast %and3A_299 : i32 to vector<16xi32>
          %and3A_301 = arith.andi %shift_right_logical3A_298, %and3A_300 : vector<16xi32>
          %and3A_302 = arith.constant 1023 : i32
          %and3A_303 = vector.broadcast %and3A_302 : i32 to vector<16xi32>
          %and3A_304 = arith.andi %get3A_292, %and3A_303 : vector<16xi32>
          %eq3A_305 = vector.broadcast %reduce_max3A_51 : i32 to vector<16xi32>
          %eq3A_306 = arith.cmpi eq, %shift_right_logical3A_295, %eq3A_305 : vector<16xi32>
          %eq3A_307 = vector.broadcast %reduce_max3A_96 : i32 to vector<16xi32>
          %eq3A_308 = arith.cmpi eq, %and3A_301, %eq3A_307 : vector<16xi32>
          %and3A_309 = arith.andi %eq3A_306, %eq3A_308 : vector<16xi1>
          %mul3A_310 = arith.constant 16 : i32
          %mul3A_311 = arith.muli %add3A_288, %mul3A_310 : i32
          %add3A_312 = vector.broadcast %mul3A_311 : i32 to vector<16xi32>
          %add3A_313 = arith.addi %iota3A, %add3A_312 : vector<16xi32>
          tpu.vector_store_idx %arg11[%and3A_304], %broadcast_in_dim3A_4 masked %and3A_309 {add = true} : memref<1024xi32, #tpu.memory_space<vmem>>[vector<16xi32>], vector<16xi32>, vector<16xi1>
          tpu.vector_store_idx %arg12[%and3A_304], %add3A_313 masked %and3A_309 {add = true} : memref<1024xi32, #tpu.memory_space<vmem>>[vector<16xi32>], vector<16xi32>, vector<16xi1>
        }
        %scan3A_148 = arith.constant 512 : i32
        %scan3A_149 = arith.constant 0 : i32
        %scan3A_150 = arith.constant 16 : i32
        %scan3A_151 = arith.addi %scan3A_149, %scan3A_150 : i32
        %scan3A_152 = arith.constant 1 : i32
        %scan3A_153:5 = scf.for %scan3A_199 = %scan3A_149 to %scan3A_151 step %scan3A_152 iter_args(%scan3A_200 = %broadcast_in_dim3A_6, %scan3A_201 = %broadcast_in_dim3A_6, %scan3A_202 = %broadcast_in_dim3A_6, %scan3A_203 = %broadcast_in_dim3A_6, %scan3A_204 = %broadcast_in_dim3A_6) -> (vector<16xi32>, vector<16xi32>, vector<16xi32>, vector<16xi32>, vector<16xi32>)  : i32 {
          %mul3A_205 = arith.constant 4 : i32
          %mul3A_206 = arith.muli %scan3A_199, %mul3A_205 : i32
          %add3A_207 = arith.constant 0 : i32
          %add3A_208 = arith.addi %mul3A_206, %add3A_207 : i32
          %mul3A_209 = arith.constant 16 : i32
          %mul3A_210 = arith.muli %add3A_208, %mul3A_209 : i32
          %get3A_211 = arith.index_cast %mul3A_210 : i32 to index
          %get3A_212 = tpu.vector_load %arg11[%get3A_211] {strides = array<i32>} : memref<1024xi32, #tpu.memory_space<vmem>>, vector<16xi32>,
          %mul3A_213 = arith.constant 16 : i32
          %mul3A_214 = arith.muli %add3A_208, %mul3A_213 : i32
          %get3A_215 = arith.index_cast %mul3A_214 : i32 to index
          %get3A_216 = tpu.vector_load %arg12[%get3A_215] {strides = array<i32>} : memref<1024xi32, #tpu.memory_space<vmem>>, vector<16xi32>,
          %broadcast_in_dim3A_217 = arith.constant true
          %broadcast_in_dim3A_218 = vector.broadcast %broadcast_in_dim3A_217 : i1 to vector<16xi1>
          %masked_cumsum3A = tpu.scan <sum>, %get3A_212 masked %broadcast_in_dim3A_218 : vector<16xi32>, vector<16xi1> -> vector<16xi32>
          %add3A_219 = arith.addi %masked_cumsum3A, %scan3A_200 : vector<16xi32>
          %sub3A_220 = arith.subi %add3A_219, %get3A_212 : vector<16xi32>
          %ge3A = arith.cmpi sge, %add3A_219, %sub3A_122 : vector<16xi32>
          %lt3A_221 = arith.cmpi slt, %sub3A_220, %sub3A_122 : vector<16xi32>
          %and3A = arith.andi %ge3A, %lt3A_221 : vector<16xi1>
          %mul3A_222 = arith.constant 16 : i32
          %mul3A_223 = arith.muli %add3A_208, %mul3A_222 : i32
          %add3A_224 = vector.broadcast %mul3A_223 : i32 to vector<16xi32>
          %add3A_225 = arith.addi %iota3A, %add3A_224 : vector<16xi32>
          %jit3A = arith.constant 0 : i32
          %broadcast_in_dim3A_226 = vector.broadcast %jit3A : i32 to vector<16xi32>
          %select_n3A_227 = arith.select %and3A, %add3A_225, %broadcast_in_dim3A_226 : vector<16xi1>, vector<16xi32>
          %add3A_228 = arith.addi %scan3A_201, %select_n3A_227 : vector<16xi32>
          %jit3A_229 = arith.constant 0 : i32
          %broadcast_in_dim3A_230 = vector.broadcast %jit3A_229 : i32 to vector<16xi32>
          %select_n3A_231 = arith.select %and3A, %sub3A_220, %broadcast_in_dim3A_230 : vector<16xi1>, vector<16xi32>
          %add3A_232 = arith.addi %scan3A_202, %select_n3A_231 : vector<16xi32>
          %jit3A_233 = arith.constant 0 : i32
          %broadcast_in_dim3A_234 = vector.broadcast %jit3A_233 : i32 to vector<16xi32>
          %select_n3A_235 = arith.select %and3A, %get3A_212, %broadcast_in_dim3A_234 : vector<16xi1>, vector<16xi32>
          %add3A_236 = arith.addi %scan3A_203, %select_n3A_235 : vector<16xi32>
          %jit3A_237 = arith.constant 0 : i32
          %broadcast_in_dim3A_238 = vector.broadcast %jit3A_237 : i32 to vector<16xi32>
          %select_n3A_239 = arith.select %and3A, %get3A_216, %broadcast_in_dim3A_238 : vector<16xi1>, vector<16xi32>
          %add3A_240 = arith.addi %scan3A_204, %select_n3A_239 : vector<16xi32>
          %reduce_max3A_241 = arith.constant true
          %reduce_max3A_242 = vector.broadcast %reduce_max3A_241 : i1 to vector<16xi1>
          %reduce_max3A_243 = arith.constant -2147483648 : i32
          %reduce_max3A_244 = vector.broadcast %reduce_max3A_243 : i32 to vector<16xi32>
          %reduce_max3A_245 = arith.xori %masked_cumsum3A, %reduce_max3A_244 : vector<16xi32>
          %reduce_max3A_246 = tpu.scan <max>, %reduce_max3A_245 masked %reduce_max3A_242 : vector<16xi32>, vector<16xi1> -> vector<16xi32>
          %reduce_max3A_247 = arith.xori %reduce_max3A_246, %reduce_max3A_244 : vector<16xi32>
          %reduce_max3A_248 = vector.extract %reduce_max3A_247[15] : i32 from vector<16xi32>
          %add3A_249 = vector.broadcast %reduce_max3A_248 : i32 to vector<16xi32>
          %add3A_250 = arith.addi %scan3A_200, %add3A_249 : vector<16xi32>
          %mul3A_251 = arith.constant 4 : i32
          %mul3A_252 = arith.muli %scan3A_199, %mul3A_251 : i32
          %add3A_253 = arith.constant 1 : i32
          %add3A_254 = arith.addi %mul3A_252, %add3A_253 : i32
          %mul3A_255 = arith.constant 16 : i32
          %mul3A_256 = arith.muli %add3A_254, %mul3A_255 : i32
          %get3A_257 = arith.index_cast %mul3A_256 : i32 to index
          %get3A_258 = tpu.vector_load %arg11[%get3A_257] {strides = array<i32>} : memref<1024xi32, #tpu.memory_space<vmem>>, vector<16xi32>,
          %mul3A_259 = arith.constant 16 : i32
          %mul3A_260 = arith.muli %add3A_254, %mul3A_259 : i32
          %get3A_261 = arith.index_cast %mul3A_260 : i32 to index
          %get3A_262 = tpu.vector_load %arg12[%get3A_261] {strides = array<i32>} : memref<1024xi32, #tpu.memory_space<vmem>>, vector<16xi32>,
          %broadcast_in_dim3A_263 = arith.constant true
          %broadcast_in_dim3A_264 = vector.broadcast %broadcast_in_dim3A_263 : i1 to vector<16xi1>
          %masked_cumsum3A_265 = tpu.scan <sum>, %get3A_258 masked %broadcast_in_dim3A_264 : vector<16xi32>, vector<16xi1> -> vector<16xi32>
          %add3A_266 = arith.addi %masked_cumsum3A_265, %add3A_250 : vector<16xi32>
          %sub3A_267 = arith.subi %add3A_266, %get3A_258 : vector<16xi32>
          %ge3A_268 = arith.cmpi sge, %add3A_266, %sub3A_122 : vector<16xi32>
          %lt3A_269 = arith.cmpi slt, %sub3A_267, %sub3A_122 : vector<16xi32>
          %and3A_270 = arith.andi %ge3A_268, %lt3A_269 : vector<16xi1>
          %mul3A_271 = arith.constant 16 : i32
          %mul3A_272 = arith.muli %add3A_254, %mul3A_271 : i32
          %add3A_273 = vector.broadcast %mul3A_272 : i32 to vector<16xi32>
          %add3A_274 = arith.addi %iota3A, %add3A_273 : vector<16xi32>
          %jit3A_275 = arith.constant 0 : i32
          %broadcast_in_dim3A_276 = vector.broadcast %jit3A_275 : i32 to vector<16xi32>
          %select_n3A_277 = arith.select %and3A_270, %add3A_274, %broadcast_in_dim3A_276 : vector<16xi1>, vector<16xi32>
          %add3A_278 = arith.addi %add3A_228, %select_n3A_277 : vector<16xi32>
          %jit3A_279 = arith.constant 0 : i32
          %broadcast_in_dim3A_280 = vector.broadcast %jit3A_279 : i32 to vector<16xi32>
          %select_n3A_281 = arith.select %and3A_270, %sub3A_267, %broadcast_in_dim3A_280 : vector<16xi1>, vector<16xi32>
          %add3A_282 = arith.addi %add3A_232, %select_n3A_281 : vector<16xi32>
          %jit3A_283 = arith.constant 0 : i32
          %broadcast_in_dim3A_284 = vector.broadcast %jit3A_283 : i32 to vector<16xi32>
          %select_n3A_285 = arith.select %and3A_270, %get3A_258, %broadcast_in_dim3A_284 : vector<16xi1>, vector<16xi32>
          %add3A_286 = arith.addi %add3A_236, %select_n3A_285 : vector<16xi32>
          %jit3A_287 = arith.constant 0 : i32
          %broadcast_in_dim3A_288 = vector.broadcast %jit3A_287 : i32 to vector<16xi32>
          %select_n3A_289 = arith.select %and3A_270, %get3A_262, %broadcast_in_dim3A_288 : vector<16xi1>, vector<16xi32>
          %add3A_290 = arith.addi %add3A_240, %select_n3A_289 : vector<16xi32>
          %reduce_max3A_291 = arith.constant true
          %reduce_max3A_292 = vector.broadcast %reduce_max3A_291 : i1 to vector<16xi1>
          %reduce_max3A_293 = arith.constant -2147483648 : i32
          %reduce_max3A_294 = vector.broadcast %reduce_max3A_293 : i32 to vector<16xi32>
          %reduce_max3A_295 = arith.xori %masked_cumsum3A_265, %reduce_max3A_294 : vector<16xi32>
          %reduce_max3A_296 = tpu.scan <max>, %reduce_max3A_295 masked %reduce_max3A_292 : vector<16xi32>, vector<16xi1> -> vector<16xi32>
          %reduce_max3A_297 = arith.xori %reduce_max3A_296, %reduce_max3A_294 : vector<16xi32>
          %reduce_max3A_298 = vector.extract %reduce_max3A_297[15] : i32 from vector<16xi32>
          %add3A_299 = vector.broadcast %reduce_max3A_298 : i32 to vector<16xi32>
          %add3A_300 = arith.addi %add3A_250, %add3A_299 : vector<16xi32>
          %mul3A_301 = arith.constant 4 : i32
          %mul3A_302 = arith.muli %scan3A_199, %mul3A_301 : i32
          %add3A_303 = arith.constant 2 : i32
          %add3A_304 = arith.addi %mul3A_302, %add3A_303 : i32
          %mul3A_305 = arith.constant 16 : i32
          %mul3A_306 = arith.muli %add3A_304, %mul3A_305 : i32
          %get3A_307 = arith.index_cast %mul3A_306 : i32 to index
          %get3A_308 = tpu.vector_load %arg11[%get3A_307] {strides = array<i32>} : memref<1024xi32, #tpu.memory_space<vmem>>, vector<16xi32>,
          %mul3A_309 = arith.constant 16 : i32
          %mul3A_310 = arith.muli %add3A_304, %mul3A_309 : i32
          %get3A_311 = arith.index_cast %mul3A_310 : i32 to index
          %get3A_312 = tpu.vector_load %arg12[%get3A_311] {strides = array<i32>} : memref<1024xi32, #tpu.memory_space<vmem>>, vector<16xi32>,
          %broadcast_in_dim3A_313 = arith.constant true
          %broadcast_in_dim3A_314 = vector.broadcast %broadcast_in_dim3A_313 : i1 to vector<16xi1>
          %masked_cumsum3A_315 = tpu.scan <sum>, %get3A_308 masked %broadcast_in_dim3A_314 : vector<16xi32>, vector<16xi1> -> vector<16xi32>
          %add3A_316 = arith.addi %masked_cumsum3A_315, %add3A_300 : vector<16xi32>
          %sub3A_317 = arith.subi %add3A_316, %get3A_308 : vector<16xi32>
          %ge3A_318 = arith.cmpi sge, %add3A_316, %sub3A_122 : vector<16xi32>
          %lt3A_319 = arith.cmpi slt, %sub3A_317, %sub3A_122 : vector<16xi32>
          %and3A_320 = arith.andi %ge3A_318, %lt3A_319 : vector<16xi1>
          %mul3A_321 = arith.constant 16 : i32
          %mul3A_322 = arith.muli %add3A_304, %mul3A_321 : i32
          %add3A_323 = vector.broadcast %mul3A_322 : i32 to vector<16xi32>
          %add3A_324 = arith.addi %iota3A, %add3A_323 : vector<16xi32>
          %jit3A_325 = arith.constant 0 : i32
          %broadcast_in_dim3A_326 = vector.broadcast %jit3A_325 : i32 to vector<16xi32>
          %select_n3A_327 = arith.select %and3A_320, %add3A_324, %broadcast_in_dim3A_326 : vector<16xi1>, vector<16xi32>
          %add3A_328 = arith.addi %add3A_278, %select_n3A_327 : vector<16xi32>
          %jit3A_329 = arith.constant 0 : i32
          %broadcast_in_dim3A_330 = vector.broadcast %jit3A_329 : i32 to vector<16xi32>
          %select_n3A_331 = arith.select %and3A_320, %sub3A_317, %broadcast_in_dim3A_330 : vector<16xi1>, vector<16xi32>
          %add3A_332 = arith.addi %add3A_282, %select_n3A_331 : vector<16xi32>
          %jit3A_333 = arith.constant 0 : i32
          %broadcast_in_dim3A_334 = vector.broadcast %jit3A_333 : i32 to vector<16xi32>
          %select_n3A_335 = arith.select %and3A_320, %get3A_308, %broadcast_in_dim3A_334 : vector<16xi1>, vector<16xi32>
          %add3A_336 = arith.addi %add3A_286, %select_n3A_335 : vector<16xi32>
          %jit3A_337 = arith.constant 0 : i32
          %broadcast_in_dim3A_338 = vector.broadcast %jit3A_337 : i32 to vector<16xi32>
          %select_n3A_339 = arith.select %and3A_320, %get3A_312, %broadcast_in_dim3A_338 : vector<16xi1>, vector<16xi32>
          %add3A_340 = arith.addi %add3A_290, %select_n3A_339 : vector<16xi32>
          %reduce_max3A_341 = arith.constant true
          %reduce_max3A_342 = vector.broadcast %reduce_max3A_341 : i1 to vector<16xi1>
          %reduce_max3A_343 = arith.constant -2147483648 : i32
          %reduce_max3A_344 = vector.broadcast %reduce_max3A_343 : i32 to vector<16xi32>
          %reduce_max3A_345 = arith.xori %masked_cumsum3A_315, %reduce_max3A_344 : vector<16xi32>
          %reduce_max3A_346 = tpu.scan <max>, %reduce_max3A_345 masked %reduce_max3A_342 : vector<16xi32>, vector<16xi1> -> vector<16xi32>
          %reduce_max3A_347 = arith.xori %reduce_max3A_346, %reduce_max3A_344 : vector<16xi32>
          %reduce_max3A_348 = vector.extract %reduce_max3A_347[15] : i32 from vector<16xi32>
          %add3A_349 = vector.broadcast %reduce_max3A_348 : i32 to vector<16xi32>
          %add3A_350 = arith.addi %add3A_300, %add3A_349 : vector<16xi32>
          %mul3A_351 = arith.constant 4 : i32
          %mul3A_352 = arith.muli %scan3A_199, %mul3A_351 : i32
          %add3A_353 = arith.constant 3 : i32
          %add3A_354 = arith.addi %mul3A_352, %add3A_353 : i32
          %mul3A_355 = arith.constant 16 : i32
          %mul3A_356 = arith.muli %add3A_354, %mul3A_355 : i32
          %get3A_357 = arith.index_cast %mul3A_356 : i32 to index
          %get3A_358 = tpu.vector_load %arg11[%get3A_357] {strides = array<i32>} : memref<1024xi32, #tpu.memory_space<vmem>>, vector<16xi32>,
          %mul3A_359 = arith.constant 16 : i32
          %mul3A_360 = arith.muli %add3A_354, %mul3A_359 : i32
          %get3A_361 = arith.index_cast %mul3A_360 : i32 to index
          %get3A_362 = tpu.vector_load %arg12[%get3A_361] {strides = array<i32>} : memref<1024xi32, #tpu.memory_space<vmem>>, vector<16xi32>,
          %broadcast_in_dim3A_363 = arith.constant true
          %broadcast_in_dim3A_364 = vector.broadcast %broadcast_in_dim3A_363 : i1 to vector<16xi1>
          %masked_cumsum3A_365 = tpu.scan <sum>, %get3A_358 masked %broadcast_in_dim3A_364 : vector<16xi32>, vector<16xi1> -> vector<16xi32>
          %add3A_366 = arith.addi %masked_cumsum3A_365, %add3A_350 : vector<16xi32>
          %sub3A_367 = arith.subi %add3A_366, %get3A_358 : vector<16xi32>
          %ge3A_368 = arith.cmpi sge, %add3A_366, %sub3A_122 : vector<16xi32>
          %lt3A_369 = arith.cmpi slt, %sub3A_367, %sub3A_122 : vector<16xi32>
          %and3A_370 = arith.andi %ge3A_368, %lt3A_369 : vector<16xi1>
          %mul3A_371 = arith.constant 16 : i32
          %mul3A_372 = arith.muli %add3A_354, %mul3A_371 : i32
          %add3A_373 = vector.broadcast %mul3A_372 : i32 to vector<16xi32>
          %add3A_374 = arith.addi %iota3A, %add3A_373 : vector<16xi32>
          %jit3A_375 = arith.constant 0 : i32
          %broadcast_in_dim3A_376 = vector.broadcast %jit3A_375 : i32 to vector<16xi32>
          %select_n3A_377 = arith.select %and3A_370, %add3A_374, %broadcast_in_dim3A_376 : vector<16xi1>, vector<16xi32>
          %add3A_378 = arith.addi %add3A_328, %select_n3A_377 : vector<16xi32>
          %jit3A_379 = arith.constant 0 : i32
          %broadcast_in_dim3A_380 = vector.broadcast %jit3A_379 : i32 to vector<16xi32>
          %select_n3A_381 = arith.select %and3A_370, %sub3A_367, %broadcast_in_dim3A_380 : vector<16xi1>, vector<16xi32>
          %add3A_382 = arith.addi %add3A_332, %select_n3A_381 : vector<16xi32>
          %jit3A_383 = arith.constant 0 : i32
          %broadcast_in_dim3A_384 = vector.broadcast %jit3A_383 : i32 to vector<16xi32>
          %select_n3A_385 = arith.select %and3A_370, %get3A_358, %broadcast_in_dim3A_384 : vector<16xi1>, vector<16xi32>
          %add3A_386 = arith.addi %add3A_336, %select_n3A_385 : vector<16xi32>
          %jit3A_387 = arith.constant 0 : i32
          %broadcast_in_dim3A_388 = vector.broadcast %jit3A_387 : i32 to vector<16xi32>
          %select_n3A_389 = arith.select %and3A_370, %get3A_362, %broadcast_in_dim3A_388 : vector<16xi1>, vector<16xi32>
          %add3A_390 = arith.addi %add3A_340, %select_n3A_389 : vector<16xi32>
          %reduce_max3A_391 = arith.constant true
          %reduce_max3A_392 = vector.broadcast %reduce_max3A_391 : i1 to vector<16xi1>
          %reduce_max3A_393 = arith.constant -2147483648 : i32
          %reduce_max3A_394 = vector.broadcast %reduce_max3A_393 : i32 to vector<16xi32>
          %reduce_max3A_395 = arith.xori %masked_cumsum3A_365, %reduce_max3A_394 : vector<16xi32>
          %reduce_max3A_396 = tpu.scan <max>, %reduce_max3A_395 masked %reduce_max3A_392 : vector<16xi32>, vector<16xi1> -> vector<16xi32>
          %reduce_max3A_397 = arith.xori %reduce_max3A_396, %reduce_max3A_394 : vector<16xi32>
          %reduce_max3A_398 = vector.extract %reduce_max3A_397[15] : i32 from vector<16xi32>
          %add3A_399 = vector.broadcast %reduce_max3A_398 : i32 to vector<16xi32>
          %add3A_400 = arith.addi %add3A_350, %add3A_399 : vector<16xi32>
          scf.yield %add3A_400, %add3A_378, %add3A_382, %add3A_386, %add3A_390 : vector<16xi32>, vector<16xi32>, vector<16xi32>, vector<16xi32>, vector<16xi32>
        }
        %scan3A_154 = arith.constant 16 : i32
        %reduce_max3A_155 = arith.constant true
        %reduce_max3A_156 = vector.broadcast %reduce_max3A_155 : i1 to vector<16xi1>
        %reduce_max3A_157 = arith.constant -2147483648 : i32
        %reduce_max3A_158 = vector.broadcast %reduce_max3A_157 : i32 to vector<16xi32>
        %reduce_max3A_159 = arith.xori %scan3A_153#1, %reduce_max3A_158 : vector<16xi32>
        %reduce_max3A_160 = tpu.scan <max>, %reduce_max3A_159 masked %reduce_max3A_156 : vector<16xi32>, vector<16xi1> -> vector<16xi32>
        %reduce_max3A_161 = arith.xori %reduce_max3A_160, %reduce_max3A_158 : vector<16xi32>
        %reduce_max3A_162 = vector.extract %reduce_max3A_161[15] : i32 from vector<16xi32>
        %reduce_max3A_163 = arith.constant true
        %reduce_max3A_164 = vector.broadcast %reduce_max3A_163 : i1 to vector<16xi1>
        %reduce_max3A_165 = arith.constant -2147483648 : i32
        %reduce_max3A_166 = vector.broadcast %reduce_max3A_165 : i32 to vector<16xi32>
        %reduce_max3A_167 = arith.xori %scan3A_153#2, %reduce_max3A_166 : vector<16xi32>
        %reduce_max3A_168 = tpu.scan <max>, %reduce_max3A_167 masked %reduce_max3A_164 : vector<16xi32>, vector<16xi1> -> vector<16xi32>
        %reduce_max3A_169 = arith.xori %reduce_max3A_168, %reduce_max3A_166 : vector<16xi32>
        %reduce_max3A_170 = vector.extract %reduce_max3A_169[15] : i32 from vector<16xi32>
        %reduce_max3A_171 = arith.constant true
        %reduce_max3A_172 = vector.broadcast %reduce_max3A_171 : i1 to vector<16xi1>
        %reduce_max3A_173 = arith.constant -2147483648 : i32
        %reduce_max3A_174 = vector.broadcast %reduce_max3A_173 : i32 to vector<16xi32>
        %reduce_max3A_175 = arith.xori %scan3A_153#3, %reduce_max3A_174 : vector<16xi32>
        %reduce_max3A_176 = tpu.scan <max>, %reduce_max3A_175 masked %reduce_max3A_172 : vector<16xi32>, vector<16xi1> -> vector<16xi32>
        %reduce_max3A_177 = arith.xori %reduce_max3A_176, %reduce_max3A_174 : vector<16xi32>
        %reduce_max3A_178 = vector.extract %reduce_max3A_177[15] : i32 from vector<16xi32>
        %reduce_max3A_179 = arith.constant true
        %reduce_max3A_180 = vector.broadcast %reduce_max3A_179 : i1 to vector<16xi1>
        %reduce_max3A_181 = arith.constant -2147483648 : i32
        %reduce_max3A_182 = vector.broadcast %reduce_max3A_181 : i32 to vector<16xi32>
        %reduce_max3A_183 = arith.xori %scan3A_153#4, %reduce_max3A_182 : vector<16xi32>
        %reduce_max3A_184 = tpu.scan <max>, %reduce_max3A_183 masked %reduce_max3A_180 : vector<16xi32>, vector<16xi1> -> vector<16xi32>
        %reduce_max3A_185 = arith.xori %reduce_max3A_184, %reduce_max3A_182 : vector<16xi32>
        %reduce_max3A_186 = vector.extract %reduce_max3A_185[15] : i32 from vector<16xi32>
        %shift_left3A = arith.constant 21 : i32
        %shift_left3A_187 = arith.shli %reduce_max3A_51, %shift_left3A : i32
        %shift_left3A_188 = arith.constant 10 : i32
        %shift_left3A_189 = arith.shli %reduce_max3A_96, %shift_left3A_188 : i32
        %or3A = arith.ori %shift_left3A_187, %shift_left3A_189 : i32
        %or3A_190 = arith.ori %or3A, %reduce_max3A_162 : i32
        %broadcast_in_dim3A_191 = vector.broadcast %or3A_190 : i32 to vector<16xi32>
        %eq3A_192 = arith.constant 1 : i32
        %eq3A_193 = arith.cmpi eq, %reduce_max3A_178, %eq3A_192 : i32
        %convert_element_type3A_194 = arith.extui %eq3A_193 : i1 to i32
        %cond3A_195 = arith.constant 0 : i32
        %cond3A_196 = arith.constant 0 : i32
        %cond3A_197 = arith.cmpi ne, %convert_element_type3A_194, %cond3A_196 : i32
        %cond3A_198 = scf.if %cond3A_197 -> (i32) {
          scf.yield %reduce_max3A_186 : i32
        } else {
          %sub3A_199 = vector.broadcast %reduce_max3A_170 : i32 to vector<16xi32>
          %sub3A_200 = arith.subi %sub3A_122, %sub3A_199 : vector<16xi32>
          %sub3A_201 = arith.constant 1 : i32
          %sub3A_202 = vector.broadcast %sub3A_201 : i32 to vector<16xi32>
          %sub3A_203 = arith.subi %sub3A_200, %sub3A_202 : vector<16xi32>
          %broadcast_in_dim3A_204 = arith.constant -1 : i32
          %broadcast_in_dim3A_205 = vector.broadcast %broadcast_in_dim3A_204 : i32 to vector<16xi32>
          %scan3A_206 = arith.constant 0 : i32
          %scan3A_207 = arith.constant 2048 : i32
          %scan3A_208 = arith.addi %scan3A_206, %scan3A_207 : i32
          %scan3A_209 = arith.constant 1 : i32
          %scan3A_210:2 = scf.for %scan3A_220 = %scan3A_206 to %scan3A_208 step %scan3A_209 iter_args(%scan3A_221 = %broadcast_in_dim3A_6, %scan3A_222 = %broadcast_in_dim3A_205) -> (vector<16xi32>, vector<16xi32>)  : i32 {
            %mul3A_223 = arith.constant 16 : i32
            %mul3A_224 = arith.muli %scan3A_220, %mul3A_223 : i32
            %get3A_225 = arith.index_cast %mul3A_224 : i32 to index
            %get3A_226 = tpu.vector_load %arg7[%get3A_225] {strides = array<i32>} : memref<32768xi32, #tpu.memory_space<vmem>>, vector<16xi32>,
            %eq3A_227 = arith.cmpi eq, %get3A_226, %broadcast_in_dim3A_191 : vector<16xi32>
            %convert_element_type3A_228 = arith.extui %eq3A_227 : vector<16xi1> to vector<16xi32>
            %broadcast_in_dim3A_229 = arith.constant true
            %broadcast_in_dim3A_230 = vector.broadcast %broadcast_in_dim3A_229 : i1 to vector<16xi1>
            %masked_cumsum3A = tpu.scan <sum>, %convert_element_type3A_228 masked %broadcast_in_dim3A_230 : vector<16xi32>, vector<16xi1> -> vector<16xi32>
            %add3A_231 = arith.addi %masked_cumsum3A, %scan3A_221 : vector<16xi32>
            %add3A_232 = arith.constant 1 : i32
            %add3A_233 = vector.broadcast %add3A_232 : i32 to vector<16xi32>
            %add3A_234 = arith.addi %sub3A_203, %add3A_233 : vector<16xi32>
            %eq3A_235 = arith.cmpi eq, %add3A_231, %add3A_234 : vector<16xi32>
            %and3A = arith.andi %eq3A_227, %eq3A_235 : vector<16xi1>
            %mul3A_236 = arith.constant 16 : i32
            %mul3A_237 = arith.muli %scan3A_220, %mul3A_236 : i32
            %add3A_238 = vector.broadcast %mul3A_237 : i32 to vector<16xi32>
            %add3A_239 = arith.addi %iota3A, %add3A_238 : vector<16xi32>
            %jit3A = arith.constant -1 : i32
            %broadcast_in_dim3A_240 = vector.broadcast %jit3A : i32 to vector<16xi32>
            %select_n3A_241 = arith.select %and3A, %add3A_239, %broadcast_in_dim3A_240 : vector<16xi1>, vector<16xi32>
            %max3A = arith.maxsi %scan3A_222, %select_n3A_241 : vector<16xi32>
            %all_reduce_population_count3A = tpu.all_reduce %eq3A_227 {dim = 0 : i64, kind = #tpu.reduction_kind<sum>} : vector<16xi1> -> vector<16xi32>
            %add3A_242 = arith.addi %scan3A_221, %all_reduce_population_count3A : vector<16xi32>
            scf.yield %add3A_242, %max3A : vector<16xi32>, vector<16xi32>
          }
          %scan3A_211 = arith.constant 2048 : i32
          %reduce_max3A_212 = arith.constant true
          %reduce_max3A_213 = vector.broadcast %reduce_max3A_212 : i1 to vector<16xi1>
          %reduce_max3A_214 = arith.constant -2147483648 : i32
          %reduce_max3A_215 = vector.broadcast %reduce_max3A_214 : i32 to vector<16xi32>
          %reduce_max3A_216 = arith.xori %scan3A_210#1, %reduce_max3A_215 : vector<16xi32>
          %reduce_max3A_217 = tpu.scan <max>, %reduce_max3A_216 masked %reduce_max3A_213 : vector<16xi32>, vector<16xi1> -> vector<16xi32>
          %reduce_max3A_218 = arith.xori %reduce_max3A_217, %reduce_max3A_215 : vector<16xi32>
          %reduce_max3A_219 = vector.extract %reduce_max3A_218[15] : i32 from vector<16xi32>
          scf.yield %reduce_max3A_219 : i32
        }
        scf.yield %broadcast_in_dim3A_191, %cond3A_198 : vector<16xi32>, i32
      }
      %lt3A = arith.constant 0 : i32
      "tpu.trace_stop"() : () -> ()
      %lt3A_127 = vector.broadcast %lt3A : i32 to vector<16xi32>
      %lt3A_128 = arith.cmpi slt, %cond3A_126#0, %lt3A_127 : vector<16xi32>
      %xor3A = arith.xori %cond3A_126#0, %broadcast_in_dim3A_2 : vector<16xi32>
      %not3A = arith.constant dense<-1> : vector<16xi32>
      %not3A_129 = arith.xori %cond3A_126#0, %not3A : vector<16xi32>
      %select_n3A = arith.select %lt3A_128, %xor3A, %not3A_129 : vector<16xi1>, vector<16xi32>
      %bitcast_convert_type3A = tpu.bitcast %select_n3A : vector<16xi32> -> vector<16xf32>
      %eq3A_130 = vector.broadcast %scan3A_27 : i32 to vector<16xi32>
      %eq3A_131 = arith.cmpi eq, %iota3A, %eq3A_130 : vector<16xi32>
      %select_n3A_132 = arith.select %eq3A_131, %bitcast_convert_type3A, %scan3A_28 : vector<16xi1>, vector<16xf32>
      %eq3A_133 = vector.broadcast %scan3A_27 : i32 to vector<16xi32>
      %eq3A_134 = arith.cmpi eq, %iota3A, %eq3A_133 : vector<16xi32>
      %broadcast_in_dim3A_135 = vector.broadcast %cond3A_126#1 : i32 to vector<16xi32>
      %select_n3A_136 = arith.select %eq3A_134, %broadcast_in_dim3A_135, %scan3A_29 : vector<16xi1>, vector<16xi32>
      scf.yield %select_n3A_132, %select_n3A_136 : vector<16xf32>, vector<16xi32>
    }
    %scan3A_23 = arith.constant 2 : i32
    %swap3A = arith.constant 0 : index
    %swap3A_24 = tpu.vector_load %arg14[%swap3A] {strides = array<i32>} : memref<16xf32, #tpu.memory_space<vmem>>, vector<16xf32>,
    tpu.vector_store %arg14[%swap3A], %scan3A_22#0 {strides = array<i32>} : memref<16xf32, #tpu.memory_space<vmem>>, vector<16xf32>,
    %swap3A_25 = arith.constant 0 : index
    %swap3A_26 = tpu.vector_load %arg15[%swap3A_25] {strides = array<i32>} : memref<16xi32, #tpu.memory_space<vmem>>, vector<16xi32>,
    tpu.vector_store %arg15[%swap3A_25], %scan3A_22#1 {strides = array<i32>} : memref<16xi32, #tpu.memory_space<vmem>>, vector<16xi32>,
    "tpu.region"() ({
      %run_scoped3A = tpu.sem_alloc : memref<!tpu.dma_semaphore, #tpu.memory_space<semaphore_mem>>
      %dma_start3A = arith.constant 0 : i32
      %dma_start3A_27 = tpu.memref_slice %arg4[%add3A, %dma_start3A] : memref<32x16xf32, #tpu.memory_space<hbm>> -> memref<1x16xf32, #tpu.memory_space<hbm>>
      %dma_start3A_28 = tpu.memref_squeeze %dma_start3A_27 : memref<1x16xf32, #tpu.memory_space<hbm>> -> memref<16xf32, #tpu.memory_space<hbm>>
      %dma_start3A_29 = arith.constant 0 : i32
      %dma_start3A_30 = tpu.memref_slice %arg4[%add3A, %dma_start3A_29] : memref<32x16xf32, #tpu.memory_space<hbm>> -> memref<1x16xf32, #tpu.memory_space<hbm>>
      %dma_start3A_31 = tpu.memref_squeeze %dma_start3A_30 : memref<1x16xf32, #tpu.memory_space<hbm>> -> memref<16xf32, #tpu.memory_space<hbm>>
      tpu.enqueue_dma source(%arg14 : memref<16xf32, #tpu.memory_space<vmem>>) target(%dma_start3A_31 : memref<16xf32, #tpu.memory_space<hbm>>) target_semaphore(%run_scoped3A : memref<!tpu.dma_semaphore, #tpu.memory_space<semaphore_mem>>)
      %dma_wait3A = arith.constant 0 : i32
      %dma_wait3A_32 = tpu.memref_slice %arg4[%add3A, %dma_wait3A] : memref<32x16xf32, #tpu.memory_space<hbm>> -> memref<1x16xf32, #tpu.memory_space<hbm>>
      %dma_wait3A_33 = tpu.memref_squeeze %dma_wait3A_32 : memref<1x16xf32, #tpu.memory_space<hbm>> -> memref<16xf32, #tpu.memory_space<hbm>>
      %dma_wait3A_34 = arith.constant 0 : i32
      %dma_wait3A_35 = tpu.memref_slice %arg4[%add3A, %dma_wait3A_34] : memref<32x16xf32, #tpu.memory_space<hbm>> -> memref<1x16xf32, #tpu.memory_space<hbm>>
      %dma_wait3A_36 = tpu.memref_squeeze %dma_wait3A_35 : memref<1x16xf32, #tpu.memory_space<hbm>> -> memref<16xf32, #tpu.memory_space<hbm>>
      tpu.wait_dma2 semaphore(%run_scoped3A : memref<!tpu.dma_semaphore, #tpu.memory_space<semaphore_mem>>) src(%arg14 : memref<16xf32, #tpu.memory_space<vmem>>) dst(%dma_wait3A_36 : memref<16xf32, #tpu.memory_space<hbm>>)
      tpu.yield
    }) : () -> ()
    "tpu.region"() ({
      %run_scoped3A = tpu.sem_alloc : memref<!tpu.dma_semaphore, #tpu.memory_space<semaphore_mem>>
      %dma_start3A = arith.constant 0 : i32
      %dma_start3A_27 = tpu.memref_slice %arg5[%add3A, %dma_start3A] : memref<32x16xi32, #tpu.memory_space<hbm>> -> memref<1x16xi32, #tpu.memory_space<hbm>>
      %dma_start3A_28 = tpu.memref_squeeze %dma_start3A_27 : memref<1x16xi32, #tpu.memory_space<hbm>> -> memref<16xi32, #tpu.memory_space<hbm>>
      %dma_start3A_29 = arith.constant 0 : i32
      %dma_start3A_30 = tpu.memref_slice %arg5[%add3A, %dma_start3A_29] : memref<32x16xi32, #tpu.memory_space<hbm>> -> memref<1x16xi32, #tpu.memory_space<hbm>>
      %dma_start3A_31 = tpu.memref_squeeze %dma_start3A_30 : memref<1x16xi32, #tpu.memory_space<hbm>> -> memref<16xi32, #tpu.memory_space<hbm>>
      tpu.enqueue_dma source(%arg15 : memref<16xi32, #tpu.memory_space<vmem>>) target(%dma_start3A_31 : memref<16xi32, #tpu.memory_space<hbm>>) target_semaphore(%run_scoped3A : memref<!tpu.dma_semaphore, #tpu.memory_space<semaphore_mem>>)
      %dma_wait3A = arith.constant 0 : i32
      %dma_wait3A_32 = tpu.memref_slice %arg5[%add3A, %dma_wait3A] : memref<32x16xi32, #tpu.memory_space<hbm>> -> memref<1x16xi32, #tpu.memory_space<hbm>>
      %dma_wait3A_33 = tpu.memref_squeeze %dma_wait3A_32 : memref<1x16xi32, #tpu.memory_space<hbm>> -> memref<16xi32, #tpu.memory_space<hbm>>
      %dma_wait3A_34 = arith.constant 0 : i32
      %dma_wait3A_35 = tpu.memref_slice %arg5[%add3A, %dma_wait3A_34] : memref<32x16xi32, #tpu.memory_space<hbm>> -> memref<1x16xi32, #tpu.memory_space<hbm>>
      %dma_wait3A_36 = tpu.memref_squeeze %dma_wait3A_35 : memref<1x16xi32, #tpu.memory_space<hbm>> -> memref<16xi32, #tpu.memory_space<hbm>>
      tpu.wait_dma2 semaphore(%run_scoped3A : memref<!tpu.dma_semaphore, #tpu.memory_space<semaphore_mem>>) src(%arg15 : memref<16xi32, #tpu.memory_space<vmem>>) dst(%dma_wait3A_36 : memref<16xi32, #tpu.memory_space<hbm>>)
      tpu.yield
    }) : () -> ()
    return
  }
}

module attributes {stable_mosaic.version = 14 : i64} {
  func.func @_tc_select_body(%arg0: i32, %arg1: memref<1xi32, #tpu.memory_space<smem>>, %arg2: memref<8x32768xf32, #tpu.memory_space<vmem>>, %arg3: memref<8x1xf32, #tpu.memory_space<vmem>>, %arg4: memref<8x1xi32, #tpu.memory_space<vmem>>) attributes {dimension_semantics = [#tpu.dimension_semantics<arbitrary>], iteration_bounds = array<i64: 8>, scalar_prefetch = 0 : i64, scratch_operands = 0 : i64, tpu.core_type = #tpu.core_type<tc>, window_params = [{transform_indices = @transform_0, window_bounds = array<i64: 1>}, {transform_indices = @transform_1, window_bounds = array<i64: 8, 32768>}, {transform_indices = @transform_2, window_bounds = array<i64: 8, 1>}, {transform_indices = @transform_3, window_bounds = array<i64: 8, 1>}]} {
    %get3A = arith.constant 0 : index
    %get3A_0 = arith.constant 0 : index
    %get3A_1 = vector.load %arg2[%get3A, %get3A_0] : memref<8x32768xf32, #tpu.memory_space<vmem>>, vector<8x32768xf32>
    %bitcast_convert_type3A = tpu.bitcast %get3A_1 : vector<8x32768xf32> -> vector<8x32768xi32>
    %shift_right_arithmetic3A = arith.constant 31 : i32
    %shift_right_arithmetic3A_2 = vector.broadcast %shift_right_arithmetic3A : i32 to vector<8x32768xi32>
    %shift_right_arithmetic3A_3 = arith.shrsi %bitcast_convert_type3A, %shift_right_arithmetic3A_2 : vector<8x32768xi32>
    %or3A = arith.constant -2147483648 : i32
    %or3A_4 = vector.broadcast %or3A : i32 to vector<8x32768xi32>
    %or3A_5 = arith.ori %shift_right_arithmetic3A_3, %or3A_4 : vector<8x32768xi32>
    %xor3A = arith.xori %bitcast_convert_type3A, %or3A_5 : vector<8x32768xi32>
    %xor3A_6 = arith.constant -2147483648 : i32
    %xor3A_7 = vector.broadcast %xor3A_6 : i32 to vector<8x32768xi32>
    %xor3A_8 = arith.xori %xor3A, %xor3A_7 : vector<8x32768xi32>
    %get3A_9 = arith.constant 0 : index
    %get3A_10 = memref.load %arg1[%get3A_9] : memref<1xi32, #tpu.memory_space<smem>>
    %broadcast_in_dim3A = arith.constant 0 : i32
    %broadcast_in_dim3A_11 = vector.broadcast %broadcast_in_dim3A : i32 to vector<8x1xi32>
    %scan3A = arith.constant -2147483648 : i32
    %scan3A_12 = arith.constant 0 : i32
    %scan3A_13 = arith.constant 32 : i32
    %scan3A_14 = arith.addi %scan3A_12, %scan3A_13 : i32
    %scan3A_15 = arith.constant 1 : i32
    %scan3A_16 = scf.for %scan3A_56 = %scan3A_12 to %scan3A_14 step %scan3A_15 iter_args(%scan3A_57 = %broadcast_in_dim3A_11) -> (vector<8x1xi32>)  : i32 {
      %sub3A_58 = arith.constant 31 : i32
      %sub3A_59 = arith.subi %sub3A_58, %scan3A_56 : i32
      %shift_left3A = arith.constant 1 : i32
      %shift_left3A_60 = arith.shli %shift_left3A, %sub3A_59 : i32
      %sub3A_61 = arith.constant 1 : i32
      %sub3A_62 = arith.subi %shift_left3A_60, %sub3A_61 : i32
      %or3A_63 = vector.broadcast %sub3A_62 : i32 to vector<8x1xi32>
      %or3A_64 = arith.ori %scan3A_57, %or3A_63 : vector<8x1xi32>
      %xor3A_65 = vector.broadcast %scan3A : i32 to vector<8x1xi32>
      %xor3A_66 = arith.xori %or3A_64, %xor3A_65 : vector<8x1xi32>
      %le3A = vector.broadcast %xor3A_66 : vector<8x1xi32> to vector<8x32768xi32>
      %le3A_67 = arith.cmpi sle, %xor3A_8, %le3A : vector<8x32768xi32>
      %convert_element_type3A_68 = arith.extui %le3A_67 : vector<8x32768xi1> to vector<8x32768xi32>
      %reduce_sum3A_69 = arith.constant dense<0> : vector<8xi32>
      %reduce_sum3A_70 = vector.multi_reduction <add>, %convert_element_type3A_68, %reduce_sum3A_69 [1] : vector<8x32768xi32> to vector<8xi32>
      %broadcast_in_dim3A_71 = vector.shape_cast %reduce_sum3A_70 : vector<8xi32> to vector<8x1xi32>
      %shift_left3A_72 = arith.constant 1 : i32
      %shift_left3A_73 = arith.shli %shift_left3A_72, %sub3A_59 : i32
      %ge3A = vector.broadcast %get3A_10 : i32 to vector<8x1xi32>
      %ge3A_74 = arith.cmpi sge, %broadcast_in_dim3A_71, %ge3A : vector<8x1xi32>
      %or3A_75 = vector.broadcast %shift_left3A_73 : i32 to vector<8x1xi32>
      %or3A_76 = arith.ori %scan3A_57, %or3A_75 : vector<8x1xi32>
      %select_n3A_77 = arith.select %ge3A_74, %scan3A_57, %or3A_76 : vector<8x1xi1>, vector<8x1xi32>
      scf.yield %select_n3A_77 : vector<8x1xi32>
    }
    %scan3A_17 = arith.constant 32 : i32
    %xor3A_18 = arith.constant -2147483648 : i32
    %xor3A_19 = vector.broadcast %xor3A_18 : i32 to vector<8x1xi32>
    %xor3A_20 = arith.xori %scan3A_16, %xor3A_19 : vector<8x1xi32>
    %eq3A = vector.broadcast %xor3A_20 : vector<8x1xi32> to vector<8x32768xi32>
    %eq3A_21 = arith.cmpi eq, %xor3A_8, %eq3A : vector<8x32768xi32>
    %lt3A = vector.broadcast %xor3A_20 : vector<8x1xi32> to vector<8x32768xi32>
    %lt3A_22 = arith.cmpi slt, %xor3A_8, %lt3A : vector<8x32768xi32>
    %convert_element_type3A = arith.extui %lt3A_22 : vector<8x32768xi1> to vector<8x32768xi32>
    %reduce_sum3A = arith.constant dense<0> : vector<8xi32>
    %reduce_sum3A_23 = vector.multi_reduction <add>, %convert_element_type3A, %reduce_sum3A [1] : vector<8x32768xi32> to vector<8xi32>
    %broadcast_in_dim3A_24 = vector.shape_cast %reduce_sum3A_23 : vector<8xi32> to vector<8x1xi32>
    %sub3A = vector.broadcast %get3A_10 : i32 to vector<8x1xi32>
    %sub3A_25 = arith.subi %sub3A, %broadcast_in_dim3A_24 : vector<8x1xi32>
    %iota3A = tpu.iota {dimensions = array<i32: 1>} : vector<8x32768xi32>
    %eq3A_26 = arith.constant 1 : i32
    %eq3A_27 = vector.broadcast %eq3A_26 : i32 to vector<8x1xi32>
    %eq3A_28 = arith.cmpi eq, %sub3A_25, %eq3A_27 : vector<8x1xi32>
    %reduce_and3A = arith.constant 1.000000e+00 : f32
    %reduce_and3A_29 = arith.constant 0.000000e+00 : f32
    %reduce_and3A_30 = vector.broadcast %reduce_and3A : f32 to vector<8x1xf32>
    %reduce_and3A_31 = vector.broadcast %reduce_and3A_29 : f32 to vector<8x1xf32>
    %reduce_and3A_32 = arith.select %eq3A_28, %reduce_and3A_30, %reduce_and3A_31 : vector<8x1xi1>, vector<8x1xf32>
    %reduce_and3A_33 = vector.shape_cast %reduce_and3A_32 : vector<8x1xf32> to vector<1x8x1xf32>
    %reduce_and3A_34 = arith.constant dense<0x7F800000> : vector<1xf32>
    %reduce_and3A_35 = vector.multi_reduction <minimumf>, %reduce_and3A_33, %reduce_and3A_34 [1, 2] : vector<1x8x1xf32> to vector<1xf32>
    %reduce_and3A_36 = vector.shape_cast %reduce_and3A_35 : vector<1xf32> to vector<1x1x1xf32>
    %reduce_and3A_37 = vector.extract %reduce_and3A_36[0, 0, 0] : f32 from vector<1x1x1xf32>
    %reduce_and3A_38 = arith.constant 0.000000e+00 : f32
    %reduce_and3A_39 = arith.cmpf ogt, %reduce_and3A_37, %reduce_and3A_38 : f32
    %convert_element_type3A_40 = arith.extui %reduce_and3A_39 : i1 to i32
    %cond3A = arith.constant 0 : i32
    %cond3A_41 = arith.cmpi ne, %convert_element_type3A_40, %cond3A : i32
    %cond3A_42 = scf.if %cond3A_41 -> (vector<8x1xi32>) {
      %jit3A = arith.constant 1073741824 : i32
      %broadcast_in_dim3A_56 = vector.broadcast %jit3A : i32 to vector<8x32768xi32>
      %select_n3A_57 = arith.select %eq3A_21, %iota3A, %broadcast_in_dim3A_56 : vector<8x32768xi1>, vector<8x32768xi32>
      %reduce_min3A = arith.constant dense<2147483647> : vector<8xi32>
      %reduce_min3A_58 = vector.multi_reduction <minsi>, %select_n3A_57, %reduce_min3A [1] : vector<8x32768xi32> to vector<8xi32>
      %broadcast_in_dim3A_59 = vector.shape_cast %reduce_min3A_58 : vector<8xi32> to vector<8x1xi32>
      scf.yield %broadcast_in_dim3A_59 : vector<8x1xi32>
    } else {
      %broadcast_in_dim3A_56 = arith.constant 0 : i32
      %broadcast_in_dim3A_57 = vector.broadcast %broadcast_in_dim3A_56 : i32 to vector<8x1xi32>
      %scan3A_58 = arith.constant 0 : i32
      %scan3A_59 = arith.constant 15 : i32
      %scan3A_60 = arith.addi %scan3A_58, %scan3A_59 : i32
      %scan3A_61 = arith.constant 1 : i32
      %scan3A_62 = scf.for %scan3A_64 = %scan3A_58 to %scan3A_60 step %scan3A_61 iter_args(%scan3A_65 = %broadcast_in_dim3A_57) -> (vector<8x1xi32>)  : i32 {
        %sub3A_66 = arith.constant 14 : i32
        %sub3A_67 = arith.subi %sub3A_66, %scan3A_64 : i32
        %shift_left3A = arith.constant 1 : i32
        %shift_left3A_68 = arith.shli %shift_left3A, %sub3A_67 : i32
        %sub3A_69 = arith.constant 1 : i32
        %sub3A_70 = arith.subi %shift_left3A_68, %sub3A_69 : i32
        %or3A_71 = vector.broadcast %sub3A_70 : i32 to vector<8x1xi32>
        %or3A_72 = arith.ori %scan3A_65, %or3A_71 : vector<8x1xi32>
        %le3A = vector.broadcast %or3A_72 : vector<8x1xi32> to vector<8x32768xi32>
        %le3A_73 = arith.cmpi sle, %iota3A, %le3A : vector<8x32768xi32>
        %and3A = arith.andi %eq3A_21, %le3A_73 : vector<8x32768xi1>
        %convert_element_type3A_74 = arith.extui %and3A : vector<8x32768xi1> to vector<8x32768xi32>
        %reduce_sum3A_75 = arith.constant dense<0> : vector<8xi32>
        %reduce_sum3A_76 = vector.multi_reduction <add>, %convert_element_type3A_74, %reduce_sum3A_75 [1] : vector<8x32768xi32> to vector<8xi32>
        %broadcast_in_dim3A_77 = vector.shape_cast %reduce_sum3A_76 : vector<8xi32> to vector<8x1xi32>
        %shift_left3A_78 = arith.constant 1 : i32
        %shift_left3A_79 = arith.shli %shift_left3A_78, %sub3A_67 : i32
        %ge3A = arith.cmpi sge, %broadcast_in_dim3A_77, %sub3A_25 : vector<8x1xi32>
        %or3A_80 = vector.broadcast %shift_left3A_79 : i32 to vector<8x1xi32>
        %or3A_81 = arith.ori %scan3A_65, %or3A_80 : vector<8x1xi32>
        %select_n3A_82 = arith.select %ge3A, %scan3A_65, %or3A_81 : vector<8x1xi1>, vector<8x1xi32>
        scf.yield %select_n3A_82 : vector<8x1xi32>
      }
      %scan3A_63 = arith.constant 15 : i32
      scf.yield %scan3A_62 : vector<8x1xi32>
    }
    %lt3A_43 = arith.constant 0 : i32
    %lt3A_44 = vector.broadcast %lt3A_43 : i32 to vector<8x1xi32>
    %lt3A_45 = arith.cmpi slt, %scan3A_16, %lt3A_44 : vector<8x1xi32>
    %xor3A_46 = arith.constant -2147483648 : i32
    %xor3A_47 = vector.broadcast %xor3A_46 : i32 to vector<8x1xi32>
    %xor3A_48 = arith.xori %scan3A_16, %xor3A_47 : vector<8x1xi32>
    %not3A = arith.constant dense<-1> : vector<8x1xi32>
    %not3A_49 = arith.xori %scan3A_16, %not3A : vector<8x1xi32>
    %select_n3A = arith.select %lt3A_45, %xor3A_48, %not3A_49 : vector<8x1xi1>, vector<8x1xi32>
    %bitcast_convert_type3A_50 = tpu.bitcast %select_n3A : vector<8x1xi32> -> vector<8x1xf32>
    %swap3A = arith.constant 0 : index
    %swap3A_51 = arith.constant 0 : index
    %swap3A_52 = vector.load %arg3[%swap3A, %swap3A_51] : memref<8x1xf32, #tpu.memory_space<vmem>>, vector<8x1xf32>
    tpu.vector_store %arg3[%swap3A, %swap3A_51], %bitcast_convert_type3A_50 {strides = array<i32>} : memref<8x1xf32, #tpu.memory_space<vmem>>, vector<8x1xf32>,
    %swap3A_53 = arith.constant 0 : index
    %swap3A_54 = arith.constant 0 : index
    %swap3A_55 = vector.load %arg4[%swap3A_53, %swap3A_54] : memref<8x1xi32, #tpu.memory_space<vmem>>, vector<8x1xi32>
    tpu.vector_store %arg4[%swap3A_53, %swap3A_54], %cond3A_42 {strides = array<i32>} : memref<8x1xi32, #tpu.memory_space<vmem>>, vector<8x1xi32>,
    return
  }
  func.func @transform_0(%arg0: i32) -> i32 {
    %c0_i32 = arith.constant 0 : i32
    %c0_i32_0 = arith.constant 0 : i32
    return %c0_i32 : i32
  }
  func.func @transform_1(%arg0: i32) -> (i32, i32) {
    %add3A = arith.constant 8 : i32
    %add3A_0 = arith.addi %arg0, %add3A : i32
    %c0_i32 = arith.constant 0 : i32
    %c0_i32_1 = arith.constant 0 : i32
    return %add3A_0, %c0_i32 : i32, i32
  }
  func.func @transform_2(%arg0: i32) -> (i32, i32) {
    %c0_i32 = arith.constant 0 : i32
    %c0_i32_0 = arith.constant 0 : i32
    return %arg0, %c0_i32 : i32, i32
  }
  func.func @transform_3(%arg0: i32) -> (i32, i32) {
    %c0_i32 = arith.constant 0 : i32
    %c0_i32_0 = arith.constant 0 : i32
    return %arg0, %c0_i32 : i32, i32
  }
}

</mosaic_0001>

<sc_bundles>
// kernel: kernel.4.cloned.1.call-start
scs
__scs_entry_jumppad:
0x0: {  	(pc) =	sbr.rel $0x88, $3  }
0x1: {  	(tag) =	ssettag $0x0;
	lr =	simm.s32 $0x1  }
0x2: {  	[smem:$0x3F9D] =	sst lr;
	_ =	strace $0xD0000000  }
0x3: {  	_ = 	snop  }
0x4: {  	_ = 	snop  }
0x5: {  	_ = 	snop  }
0x6: {  	_ = 	snop  }
0x7: {  	_ = 	snop  }
__scs_overlays_trampoline_lowered:
0x8: {  	[smem:$0x3FAC] =	sst s0  }
0x9: {  	[smem:$0x3FAD] =	sst s1  }
0xa: {  	[smem:$0x3FAE] =	sst s2  }
0xb: {  	[smem:$0x3FAF] =	sst s3  }
0xc: {  	[smem:$0x3FB0] =	sst s4  }
0xd: {  	[smem:$0x3FB1] =	sst s5  }
0xe: {  	[smem:$0x3FB2] =	sst s6  }
0xf: {  	[smem:$0x3FB3] =	sst s7  }
0x10: {  	[smem:$0x3FB4] =	sst s8  }
0x11: {  	[smem:$0x3FB5] =	sst s9;
	s0 =	simm.s32 @!p0 $0x0  }
0x12: {  	s1 =	sld [smem:$0x3F9B];
	s0 =	simm.s32 @p0 $0x1  }
0x13: {  	[smem:$0x3FB6] =	sst s0;
	s0 =	simm.s32 @!p1 $0x0  }
0x14: {  	s2 =	sld [smem:$0x3F9A];
	s0 =	simm.s32 @p1 $0x1  }
0x15: {  	[smem:$0x3FB7] =	sst s0;
	s0 =	simm.s32 @!p2 $0x0  }
0x16: {  	s3 =	sld [smem:$0x3FDB];
	s0 =	simm.s32 @p2 $0x1  }
0x17: {  	s4 =	simm.s32 $0x1BF5;
	[smem:$0x3FB9] =	sst s0  }
0x18: {  	s0 =	sld [smem:$0x3F9C];
	_ =	swait.ge [sflag:s4], $0x0  }
0x19: {  	s7 =	sld [smem:$0x3F9D]  }
0x1a: {  	s8 =	sadd.s32 $0xFFFFE003, lr  }
0x1b: {  	s9 =	sadd.s32 $0xFFFFFEF7, lr;
	s5 =	simm.s32 $0xFFFFFFFF;
	p2 =	slt.u32 s8, $0xFFFFF086  }
0x1c: {  	p1 =	slt.u32 s9, $0xF7A;
	s5 =	simm.s32 @!p2 $0x0  }
0x1d: {  	s5 =	simm.s32 @p1 $0x1;
	p0 =	seq.s32 s7, s2  }
0x1e: {  	s7 =	smul.u32 @!p0 $0xF7A, s2;
	p2 =	seq.s32 @!p0 s5, $0x0  }
0x1f: {  	s9 =	smul.u32 $0xF7A, s1;
	s8 =	simm.s32 @!p0 $0x1BF5;
	p2 =	por !p2, p0  }
0x20: {  	[sflag:s8] =	ssyncset.s32 @!p0 $0xFFFFF086;
	s6 =	sadd.s32 @!p0 s3, s7;
	s7 =	simm.s32 @!p0 $0x108  }
0x21: {  	s3 =	sadd.s32 s3, s9;
	s6 =	sadd.s32 @!p0 $0x88, s6;
	s7 =	simm.s32 @p2 $0x1082  }
0x22: {  	[simem:s7], [sflag:s8] =	dma.local @!p0 [hbm:s6], $0xF7A  }
0x23: {  	s9 =	sor.u32 $0xD0000000, s2;
	s6 =	simm.s32 $0x108;
	_ =	swait.ge @!p0 [sflag:s8], $0x0  }
0x24: {  	s3 =	sadd.s32 $0x88, s3;
	s6 =	simm.s32 @!p1 $0x1082;
	[sflag:s4] =	ssyncset.s32 $0xFFFFF086  }
0x25: {  	[simem:s6], [sflag:s4] =	dma.local [hbm:s3], $0xF7A  }
0x26: {  	[smem:$0x3F9D] =	sst s1;
	(tag) =	ssettag s2;
	_ =	strace s9  }
0x27: {  	s1 =	sld [smem:$0x3FAD]  }
0x28: {  	s2 =	sld [smem:$0x3FAE]  }
0x29: {  	s4 =	sld [smem:$0x3FB0]  }
0x2a: {  	p0 =	seq.s32 s5, $0x0;
	s5 =	sld [smem:$0x3FB1]  }
0x2b: {  	s6 =	sld [smem:$0x3FB2]  }
0x2c: {  	s7 =	sld [smem:$0x3FB3]  }
0x2d: {  	s3 =	simm.s32 $0x108;
	s8 =	sld [smem:$0x3FB4]  }
0x2e: {  	s3 =	simm.s32 @!p0 $0x1082;
	s9 =	sld [smem:$0x3FB5]  }
0x2f: {  	lr =	sadd.s32 s0, s3;
	s0 =	sld [smem:$0x3FAC]  }
0x30: {  	s3 =	sld [smem:$0x3FAF]  }
0x31: {  	[smem:$0x3FB8] =	sst s10  }
0x32: {  	s10 =	sld [smem:$0x3FB6];
	_ =	sdelay $0x3  }
0x33: {  	p0 =	seq.s32 s10, $0x1;
	s10 =	sld [smem:$0x3FB8];
	_ =	sdelay $0x3  }
0x34: {  	[smem:$0x3FB8] =	sst s10  }
0x35: {  	s10 =	sld [smem:$0x3FB7];
	_ =	sdelay $0x3  }
0x36: {  	p1 =	seq.s32 s10, $0x1;
	s10 =	sld [smem:$0x3FB8];
	_ =	sdelay $0x3  }
0x37: {  	[smem:$0x3FB8] =	sst s10  }
0x38: {  	s10 =	sld [smem:$0x3FB9]  }
0x39: {  	_ = 	snop;
	(pc) =	sbr.ind lr, $3  }
0x3a: {  	_ = 	snop  }
0x3b: {  	_ = 	snop  }
0x3c: {  	p2 =	seq.s32 s10, $0x1;
	s10 =	sld [smem:$0x3FB8]  }
0x3d: {  	_ =	shalt  }
0x3e: {  	_ =	shalt  }
0x3f: {  	_ =	shalt  }
0x40: {  	_ =	shalt  }
0x41: {  	_ =	shalt  }
0x42: {  	_ =	shalt  }
0x43: {  	_ =	shalt  }
0x44: {  	_ =	shalt  }
0x45: {  	_ =	shalt  }
0x46: {  	_ =	shalt  }
0x47: {  	_ =	shalt  }
0x48: {  	_ =	shalt  }
0x49: {  	_ =	shalt  }
0x4a: {  	_ =	shalt  }
0x4b: {  	_ =	shalt  }
0x4c: {  	_ =	shalt  }
0x4d: {  	_ =	shalt  }
0x4e: {  	_ =	shalt  }
0x4f: {  	_ =	shalt  }
0x50: {  	_ =	shalt  }
0x51: {  	_ =	shalt  }
0x52: {  	_ =	shalt  }
0x53: {  	_ =	shalt  }
0x54: {  	_ =	shalt  }
0x55: {  	_ =	shalt  }
0x56: {  	_ =	shalt  }
0x57: {  	_ =	shalt  }
0x58: {  	_ =	shalt  }
0x59: {  	_ =	shalt  }
0x5a: {  	_ =	shalt  }
0x5b: {  	_ =	shalt  }
0x5c: {  	_ =	shalt  }
0x5d: {  	_ =	shalt  }
0x5e: {  	_ =	shalt  }
0x5f: {  	_ =	shalt  }
0x60: {  	_ =	shalt  }
0x61: {  	_ =	shalt  }
0x62: {  	_ =	shalt  }
0x63: {  	_ =	shalt  }
0x64: {  	_ =	shalt  }
0x65: {  	_ =	shalt  }
0x66: {  	_ =	shalt  }
0x67: {  	_ =	shalt  }
0x68: {  	_ =	shalt  }
0x69: {  	_ =	shalt  }
0x6a: {  	_ =	shalt  }
0x6b: {  	_ =	shalt  }
0x6c: {  	_ =	shalt  }
0x6d: {  	_ =	shalt  }
0x6e: {  	_ =	shalt  }
0x6f: {  	_ =	shalt  }
0x70: {  	_ =	shalt  }
0x71: {  	_ =	shalt  }
0x72: {  	_ =	shalt  }
0x73: {  	_ =	shalt  }
0x74: {  	_ =	shalt  }
0x75: {  	_ =	shalt  }
0x76: {  	_ =	shalt  }
0x77: {  	_ =	shalt  }
0x78: {  	_ =	shalt  }
0x79: {  	_ =	shalt  }
0x7a: {  	_ =	shalt  }
0x7b: {  	_ =	shalt  }
0x7c: {  	_ =	shalt  }
0x7d: {  	_ =	shalt  }
0x7e: {  	_ =	shalt  }
0x7f: {  	_ =	shalt  }
0x80: {  	_ =	shalt  }
0x81: {  	_ =	shalt  }
0x82: {  	_ =	shalt  }
0x83: {  	_ =	shalt  }
0x84: {  	_ =	shalt  }
0x85: {  	_ =	shalt  }
0x86: {  	_ =	shalt  }
0x87: {  	_ =	shalt  }
.Lfunc_end0:
.L_simem_size_0:
called_computation_lowered:
.L_overlay_start_0:
0x88: {  	s2 =	sld [smem:$0x3FD9]  }
0x89: {  	s3 =	sld [smem:$0x3FFE];
	_ =	sdelay $0x1  }
0x8a: {  	s1 =	srdreg.scid  }
0x8b: {  	s0 =	sand.u32 $0x1, s1  }
0x8c: {  	s14 =	sshll.u32 s0, $0xA;
	s2 =	sadd.s32 s3, s2  }
0x8d: {  	s2 =	sadd.s32 s2, s14  }
0x8e: {  	[smem:$0x3FC4] =	sst s2  }
0x8f: {  	_ = 	snop  }
0x90: {  	s2 =	sld [smem:$0x3FD0];
	_ =	sdelay $0x2  }
0x91: {  	s4 =	simm.s32 $0xA;
	s5 =	simm.s32 $0x10;
	s15 =	sld [smem:$0x3FC9]  }
0x92: {  	[smem:s5], [sflag:s4] =	dma.local [hbm:s2], $0x1  }
0x93: {  	_ =	swait.eq [sflag:s4], $0x1  }
0x94: {  	[sflag:s4] =	ssyncset.done $0x0  }
0x95: {  	[sflag:s4] =	ssyncadd.s32 $0xFFFFFFFF  }
0x96: {  	s16 =	sld [smem:$0x10];
	(tm) =	ssettm $0x1  }
0x97: {  	s17 =	sld [smem:$0x3FFB];
	_ =	sdelay $0x3  }
0x98: {  	_ =	strace s17  }
0x99: {  	s4 =	sld [smem:$0x3FFC];
	_ =	sdelay $0x3  }
0x9a: {  	_ =	strace s4  }
0x9b: {  	s4 =	sld [smem:$0x3FFD];
	_ =	sdelay $0x3  }
0x9c: {  	_ =	strace s4  }
0x9d: {  	_ =	strace $0x8FFFFFFF  }
0x9e: {  	s18 =	sld [smem:$0x3FDB];
	_ =	sdelay $0x1  }
0x9f: {  	s19 =	simm.s32 $_scs_section_size  }
0xa0: {  	s6 =	simm.s32 $_size__tile_overlayer_lowered;
	s7 =	simm.s32 $_tile_overlayer_lowered  }
0xa1: {  	s22 =	simm.s32 $0x1BFF;
	s21 =	sshll.u32 s7, $0x1;
	s4 =	sadd.s32 s19, s18  }
0xa2: {  	s8 =	simm.s32 $0x0;
	s20 =	sshll.u32 s6, $0x1;
	s6 =	sadd.s32 s21, s4  }
0xa3: {  	[timem:s8], [sflag:s22] =	dma.local [hbm:s6], s20  }
0xa4: {  	_ =	swait.ge [sflag:s22], s20  }
0xa5: {  	s5 =	ssub.s32 $0x0, s20;
	[sflag:s22] =	ssyncset.done $0x0  }
0xa6: {  	[sflag:s22] =	ssyncadd.s32 s5;
	_ =	sdelay $0x1  }
0xa7: {  	s23 =	simm.s32 $0x1B8B  }
0xa8: {  	_ =	swait.ge [sflag:s23], $0x1  }
0xa9: {  	[sflag:s23] =	ssyncset.done $0x0  }
0xaa: {  	s25 =	simm.s32 $0x1B8E;
	s24 =	sld [smem:$0x3FFE];
	[sflag:s23] =	ssyncadd.s32 $0xFFFFFFFF  }
0xab: {  	s26 =	simm.s32 $execute0_lowered;
	[smem:$0x3FD2] =	sst s25  }
0xac: {  	s6 =	sshll.u32 s26, $0x1;
	_ =	strace $0x80000046;
	[dreg:$0x1] =	wrdreg $0xFFFFFFFF  }
0xad: {  	s28 =	simm.s32 $_size_execute0_lowered;
	s4 =	sadd.s32 s4, s6;
	[dreg:$0x0] =	wrdreg $0x0  }
0xae: {  	s6 =	sshll.u32 s28, $0x1;
	[dreg:$0x2] =	wrdreg s4  }
0xaf: {  	[dreg:$0x3] =	wrdreg s6  }
0xb0: {  	[dreg:$0x4] =	wrdreg $0xC0  }
0xb1: {  	_ =	task [dreg:s8], $0x5FFFF  }
0xb2: {  	[dreg:$0x1] =	wrdreg $0xFFFFFFFF  }
0xb3: {  	[dreg:$0x0] =	wrdreg $0x60  }
0xb4: {  	[dreg:$0x2] =	wrdreg s15  }
0xb5: {  	[dreg:$0x3] =	wrdreg s16  }
0xb6: {  	[dreg:$0x4] =	wrdreg s24  }
0xb7: {  	[dreg:$0x5] =	wrdreg $0x9  }
0xb8: {  	_ =	task.clear_ibuf [dreg:s8], $0x6FFFF;
	_ =	strace $0x90000046  }
0xb9: {  	s29 =	simm.s32 $0x9;
	_ =	strace $0x8000004E  }
0xba: {  	_ =	swait.ge [sflag:s29], $0x1  }
0xbb: {  	[sflag:s29] =	ssyncadd.s32 $0xFFFFFFFF  }
0xbc: {  	_ =	strace $0x9000004E  }
0xbd: {  	_ =	sfence  }
0xbe: {  	s30 =	sld [smem:$0x0];
	_ =	sdelay $0x2  }
0xbf: {  	s31 =	sshll.u32 s1, $0xD;
	s1 =	sshrl.u32 s1, $0x2  }
0xc0: {  	s3 =	sand.u32 $0x4000, s31;
	s1 =	sadd.s32 s1, s30  }
0xc1: {  	s0 =	sor.u32 s3, s0;
	s1 =	sshll.u32 s1, $0x11  }
0xc2: {  	s0 =	sor.u32 s1, s0  }
0xc3: {  	s0 =	sadd.s32 $0x8F2B, s0  }
0xc4: {  	[sflag:s0] =	ssyncadd.remote.s32 $0x1  }
0xc5: {  	_ =	sfence.sel $0xFFFF  }
0xc6: {  	[dreg:$0x0] =	wrdreg $0xFFFFFFFF;
	(pc) =	sbr.abs _section_cstart, $3  }
0xc7: {  	[dreg:$0x1] =	wrdreg $0xFFFFFFFF  }
0xc8: {  	_ =	task.clear_ibuf [dreg:s8], $0x2FFFF;
	_ =	strace $0x9FFFFFFF  }
0xc9: {  	(tm) =	ssettm $0x7FFFFFFF  }
tec
execute0_lowered:
.L_overlay_start_1:
0x0: {  	(tag) =	ssettag $0x1  }
0x1: {  	s4 =	rddreg [dreg:$0x0];
	s1 =	srdreg.scid  }
0x2: {  	s0 =	stileid.u32;
	s5 =	rddreg [dreg:$0x2]  }
0x3: {  	s3 =	simm.s32 $0x0;
	s10 =	simm.s32 $0x80;
	s11 =	simm.s32 $0x400  }
0x4: {  	s12 =	simm.s32 $0x10000;
	s13 =	simm.s32 $0x10800;
	s14 =	simm.s32 $0x11000  }
0x5: {  	s15 =	simm.s32 $0x8000;
	s16 =	simm.s32 $0x12080;
	s17 =	simm.s32 $0x12100  }
0x6: {  	s18 =	simm.s32 $0x11800;
	s19 =	simm.s32 $0x11C00;
	s20 =	simm.s32 $0x0  }
0x7: {  	s6 =	sand.u32 $0x1, s1;
	s7 =	sshll.u32 s0, $0x1;
	[smem:$0x7FF] =	sst s3  }
0x8: {  	s31 =	sshll.u32 s0, $0xE;
	s7 =	sor.u32 s6, s7;
	_ =	strace $0x80000047  }
.Ltmp0:
0x9: {  	s6 =	ssub.s32 $0x2, s6;
	s8 =	sshll.u32 s7, $0x4;
	(pc) =	sbr.rel .LBB2_1-.Ltmp0, $4  }
0xa: {  	s7 =	sshll.u32 s7, $0x5;
	s9 =	sshrl.u32 s6, $0x1;
	s8 =	sadd.s32 s8, s5  }
0xb: {  	s5 =	sand.u32 $0x38000, s31;
	s7 =	sand.u32 $0x60, s7;
	s9 =	ssub.s32 s6, s9  }
0xc: {  	v0 =	vimm.s32 $0x1;
	s4 =	sadd.s32 s4, s5;
	s5 =	sadd.s32 $0xC00, s8;
	s6 =	sadd.s32 $0xE00, s8  }
0xd: {  	v1 =	vimm.s32 $0x0;
	v2 =	vlaneseq.u32;
	v3 =	vimm.s32 $0x80000000;
	s4 =	sadd.s32 s7, s4;
	s7 =	smax.u32 s9, $0x1;
	s9 =	simm.s32 $0x1  }
.LBB2_26:
0xe: {  	[tilespmem:$0x12080] =	vst v6  }
0xf: {  	[tilespmem:$0x12100] =	vst v5  }
0x10: {  	[hbm4b:s5+s3] =	stream.linear.scatter [tilespmem:s16], [sflag:$0x1], $0x80, $0x38;
	[tilespmem:$0x12180] =	vst v63  }
0x11: {  	s20 =	sadd.s32 $0x1, s20;
	_ =	swait.ge [sflag:s9], $0x80  }
0x12: {  	p0 =	sne.s32 s20, s7;
	[sflag:s9] =	ssyncset.done $0x0  }
.Ltmp1:
0x13: {  	[sflag:s9] =	ssyncadd.s32 $0xFFFFFF80;
	(pc) =	sbr.rel @!p0 .LBB2_27-.Ltmp1, $4  }
0x14: {  	[hbm4b:s6+s3] =	stream.linear.scatter [tilespmem:s17], [sflag:$0x1], $0x80, $0x38;
	[tilespmem:$0x12180] =	vst v63  }
0x15: {  	_ =	swait.ge [sflag:s9], $0x80  }
0x16: {  	[sflag:s9] =	ssyncset.done $0x0  }
0x17: {  	[sflag:s9] =	ssyncadd.s32 $0xFFFFFF80  }
.LBB2_1:
0x18: {  	s0 =	rddreg [dreg:$0x1];
	s1 =	simm.s32 $0x12000  }
0x19: {  	[tilespmem:s1], [sflag:$0x1] =	stream.linear.gather [hbm4b:s0+s3], $0x80, $0x38;
	[tilespmem:$0x12180] =	vst v63  }
0x1a: {  	_ =	swait.ge [sflag:s9], $0x80  }
0x1b: {  	[sflag:s9] =	ssyncset.done $0x0  }
0x1c: {  	[sflag:s9] =	ssyncadd.s32 $0xFFFFFF80  }
0x1d: {  	s21 =	simm.s32 $0x0;
	v4 =	vld [tilespmem:$0x12000]  }
.LBB2_2:
0x1e: {  	p0 =	sne.s32 s21, $0x1FC0  }
.Ltmp2:
0x1f: {  	_ = 	snop;
	(pc) =	sbr.rel @p0 .LBB2_2-.Ltmp2, $4  }
0x20: {  	s22 =	sshra.s32 s21, $0x2;
	v5 =	vimm.s32 $0x0  }
0x21: {  	[tilespmem:s22+$0x10000] =	vst v5  }
0x22: {  	[tilespmem:s22+$0x10800] =	vst v5  }
0x23: {  	s21 =	sadd.s32 $0x40, s21;
	[tilespmem:s22+$0x11000] =	vst v5  }
.Ltmp3:
0x24: {  	(pc) =	sbr.rel .LBB2_4-.Ltmp3, $2  }
0x25: {  	_ =	sdelay $0x2  }
0x26: {  	s21 =	simm.s32 $0x0;
	p1 =	por $0x1, $0x1;
	v6 =	vimm.f32 $0.0e+00;
	s22 =	simm.s32 $0x0  }
.LBB2_21:
0x27: {  	v7 =	vxor.u32 $0x80000000, v8  }
0x28: {  	(xrf0) =	vmax.scan.msk.u32 $0xffff, v7;
	_ =	sdelay $0x5  }
0x29: {  	v7, _, _ =	vpop (xrf0)  }
0x2a: {  	(v2sf) =	vpush v7, $0xF;
	_ =	sdelay $0xe  }
0x2b: {  	s0 =	spop (v2sf)  }
0x2c: {  	s23 =	sxor.u32 $0x80000000, s0  }
0x2d: {  	v7 =	vmov s23;
	_ =	sdelay $0x4  }
0x2e: {  	v7 =	vld.idx.msk [tilespmem:v7+s15+$0x0], $0xffff  }
.LBB2_25:
0x2f: {  	_ =	sdelay $0x2  }
.Ltmp4:
0x30: {  	_ = 	snop;
	(pc) =	sbr.rel @!p0 .LBB2_26-.Ltmp4, $4  }
0x31: {  	vm0 =	vgt.s32 v7, $0xFFFFFFFF  }
0x32: {  	v9 =	vmov s22;
	v8 =	vsel vm0, $0xFFFFFFFF, v3  }
0x33: {  	vm15 =	veq.s32 v9, v2;
	v7 =	vxor.u32 v7, v8  }
0x34: {  	_ =	strace $0x9000004D;
	s22 =	simm.s32 $0x1;
	p1 =	por $0x0, $0x0;
	v5 =	vsel vm15, s23, v5;
	v6 =	vsel vm15, v7, v6  }
.LBB2_4:
0x35: {  	s23 =	sshll.u32 s22, $0x4  }
0x36: {  	_ =	strace $0x80000048;
	s23 =	sadd.s32 s23, s4  }
0x37: {  	[tilespmem:s21], [sflag:$0x1] =	stream.strided.gather [hbm4b:s23+s10], $0x8000, s11, s10, $0x200038;
	[tilespmem:$0x12180] =	vst v63  }
0x38: {  	_ =	swait.ge [sflag:s9], $0x8000  }
0x39: {  	[sflag:s9] =	ssyncset.done $0x0  }
0x3a: {  	[sflag:s9] =	ssyncadd.s32 $0xFFFF8000  }
0x3b: {  	_ =	strace $0x90000048  }
0x3c: {  	p0 =	por p1, p1;
	s23 =	simm.s32 $0x0;
	_ =	strace $0x80000049  }
.LBB2_5:
0x3d: {  	s24 =	sshra.s32 s23, $0x2  }
0x3e: {  	v7 =	vld [tilespmem:s24+$0x0];
	_ =	sdelay $0x4  }
0x3f: {  	v8 =	vshra.s32 v7, $0x1F  }
0x40: {  	v8 =	vor.u32 $0x80000000, v8  }
0x41: {  	v7 =	vxor.u32 v7, v8  }
0x42: {  	v8 =	vshrl.u32 v7, $0x15;
	_ =	sdelay $0x3  }
0x43: {  	[tilespmem:s24+$0x8000] =	vst v7  }
0x44: {  	[tilespmem:v8+s12+$0x0] =	vst.idx.add.s32.msk $0xffff, v0  }
0x45: {  	v7 =	vld [tilespmem:s24+$0x10];
	_ =	sdelay $0x4  }
0x46: {  	v8 =	vshra.s32 v7, $0x1F  }
0x47: {  	v8 =	vor.u32 $0x80000000, v8  }
0x48: {  	v7 =	vxor.u32 v7, v8  }
0x49: {  	v8 =	vshrl.u32 v7, $0x15;
	_ =	sdelay $0x3  }
0x4a: {  	[tilespmem:s24+$0x8010] =	vst v7  }
0x4b: {  	[tilespmem:v8+s12+$0x0] =	vst.idx.add.s32.msk $0xffff, v0  }
0x4c: {  	v7 =	vld [tilespmem:s24+$0x20];
	_ =	sdelay $0x4  }
0x4d: {  	v8 =	vshra.s32 v7, $0x1F  }
0x4e: {  	v8 =	vor.u32 $0x80000000, v8  }
0x4f: {  	v7 =	vxor.u32 v7, v8  }
0x50: {  	v8 =	vshrl.u32 v7, $0x15;
	_ =	sdelay $0x3  }
0x51: {  	[tilespmem:s24+$0x8020] =	vst v7  }
0x52: {  	[tilespmem:v8+s12+$0x0] =	vst.idx.add.s32.msk $0xffff, v0  }
0x53: {  	v7 =	vld [tilespmem:s24+$0x30];
	_ =	sdelay $0x4  }
0x54: {  	v8 =	vshra.s32 v7, $0x1F  }
0x55: {  	v8 =	vor.u32 $0x80000000, v8  }
0x56: {  	v7 =	vxor.u32 v7, v8  }
0x57: {  	p1 =	sne.s32 s23, $0x1FF00;
	v8 =	vshrl.u32 v7, $0x15  }
.Ltmp5:
0x58: {  	_ = 	snop;
	(pc) =	sbr.rel @p1 .LBB2_5-.Ltmp5, $3  }
0x59: {  	_ =	sdelay $0x1  }
0x5a: {  	[tilespmem:s24+$0x8030] =	vst v7  }
0x5b: {  	s23 =	sadd.s32 $0x100, s23;
	[tilespmem:v8+s12+$0x0] =	vst.idx.add.s32.msk $0xffff, v0  }
0x5c: {  	_ =	strace $0x90000049  }
0x5d: {  	s23 =	simm.s32 $0x10020;
	_ =	strace $0x8000004A  }
0x5e: {  	v20 =	vld [tilespmem:s23+$0x0];
	_ =	sdelay $0x1  }
0x5f: {  	v17 =	vld [tilespmem:s23+$0xFFFFFFF0];
	_ =	sdelay $0x1  }
0x60: {  	v8 =	vld [tilespmem:s23+$0xFFFFFFE0]  }
0x61: {  	(xrf0) =	vadd.scan.msk.s32 $0xffff, v20  }
0x62: {  	v21 =	vld [tilespmem:s23+$0x10]  }
0x63: {  	(xrf0) =	vadd.scan.msk.s32 $0xffff, v17;
	_ =	sdelay $0x1  }
0x64: {  	(xrf0) =	vadd.scan.msk.s32 $0xffff, v8;
	_ =	sdelay $0x1  }
0x65: {  	v22, _, _ =	vpop (xrf0);
	(xrf0) =	vadd.scan.msk.s32 $0xffff, v21;
	_ =	sdelay $0x1  }
0x66: {  	v19, _, _ =	vpop (xrf0)  }
0x67: {  	v7 =	vxor.u32 $0x80000000, v19  }
0x68: {  	[tilespmem:s23+$0x0] =	vst v1;
	v9 =	vxor.u32 $0x80000000, v22;
	v12, _, _ =	vpop (xrf0);
	(xrf0) =	vmax.scan.msk.u32 $0xffff, v7  }
0x69: {  	[tilespmem:s23+$0xFFFFFFE0] =	vst v1;
	v7 =	vxor.u32 $0x80000000, v12;
	(xrf0) =	vmax.scan.msk.u32 $0xffff, v9  }
0x6a: {  	s24 =	simm.s32 $0x10060;
	[tilespmem:s23+$0x10] =	vst v1;
	(xrf0) =	vmax.scan.msk.u32 $0xffff, v7;
	v23, _, _ =	vpop (xrf0)  }
0x6b: {  	v7 =	vld [tilespmem:s24+$0x0];
	v9 =	vxor.u32 $0x80000000, v23  }
0x6c: {  	v11 =	vld [tilespmem:s24+$0xFFFFFFF0];
	_ =	sdelay $0x1  }
0x6d: {  	(xrf0) =	vmax.scan.msk.u32 $0xffff, v9;
	v9, _, _ =	vpop (xrf0)  }
0x6e: {  	v25 =	vld [tilespmem:s24+$0xFFFFFFE0];
	(v2sf) =	vpush v9, $0xF;
	v9, _, _ =	vpop (xrf0)  }
0x6f: {  	(xrf0) =	vadd.scan.msk.s32 $0xffff, v7;
	v10, _, _ =	vpop (xrf0);
	(v2sf) =	vpush v9, $0xF  }
0x70: {  	(xrf0) =	vadd.scan.msk.s32 $0xffff, v11;
	(v2sf) =	vpush v10, $0xF  }
0x71: {  	v10 =	vld [tilespmem:s24+$0x10];
	_ =	sdelay $0x1  }
0x72: {  	(xrf0) =	vadd.scan.msk.s32 $0xffff, v25;
	v9, _, _ =	vpop (xrf0)  }
0x73: {  	(v2sf) =	vpush v9, $0xF  }
0x74: {  	v14, _, _ =	vpop (xrf0)  }
0x75: {  	(xrf0) =	vadd.scan.msk.s32 $0xffff, v10;
	v13, _, _ =	vpop (xrf0)  }
0x76: {  	v9 =	vxor.u32 $0x80000000, v13  }
0x77: {  	v15 =	vxor.u32 $0x80000000, v14;
	(xrf0) =	vmax.scan.msk.u32 $0xffff, v9  }
0x78: {  	v24 =	vimm.s32 $0x0;
	v26, _, _ =	vpop (xrf0);
	(xrf0) =	vmax.scan.msk.u32 $0xffff, v15  }
0x79: {  	[tilespmem:s24+$0xFFFFFFE0] =	vst v1;
	v9 =	vadd.s32 v24, v12;
	v12 =	vxor.u32 $0x80000000, v26  }
0x7a: {  	s28 =	simm.s32 $0x40;
	s30 =	simm.s32 $0x30;
	[tilespmem:s24+$0x0] =	vst v1;
	(xrf0) =	vmax.scan.msk.u32 $0xffff, v12  }
0x7b: {  	s25 =	simm.s32 $0x100A0;
	v16 =	vor.u32 s28, v2;
	v30 =	vor.u32 s30, v2;
	[tilespmem:s24+$0x10] =	vst v1;
	v18 =	vsub.s32 v9, v8;
	v15, _, _ =	vpop (xrf0)  }
0x7c: {  	s26 =	simm.s32 $0x0;
	s1 =	simm.s32 $0x10;
	vm0 =	vge.s32 v9, v4;
	v8 =	vld [tilespmem:s25+$0x0];
	vm1 =	vlt.s32 v18, v4;
	v27 =	vxor.u32 $0x80000000, v15;
	s29 =	spop (v2sf)  }
0x7d: {  	v31 =	vor.u32 s1, v2;
	v9 =	vor.u32 s26, v2;
	vm0 =	vmand vm0, vm1;
	(xrf0) =	vmax.scan.msk.u32 $0xffff, v27;
	v29, _, _ =	vpop (xrf0);
	s31 =	spop (v2sf)  }
0x7e: {  	s26 =	simm.s32 $0x80;
	v12 =	vld [tilespmem:s25+$0xFFFFFFF0];
	v28 =	vnsel vm0, $0x0, v18;
	v27 =	vnsel vm0, $0x0, v9;
	s30 =	spop (v2sf);
	(v2sf) =	vpush v29, $0xF;
	v29, _, _ =	vpop (xrf0)  }
0x7f: {  	v9 =	vor.u32 s26, v2;
	v27 =	vadd.s32 v24, v27;
	s2 =	sxor.u32 $0x80000000, s31;
	s31 =	simm.s32 $0x20;
	s30 =	sxor.u32 $0x80000000, s30;
	(v2sf) =	vpush v29, $0xF  }
0x80: {  	v18 =	vld [tilespmem:s25+$0xFFFFFFE0];
	s0 =	sxor.u32 $0x80000000, s29;
	v32, _, _ =	vpop (xrf0);
	v29 =	vadd.s32 v24, v28;
	v63 =	vor.u32 s31, v2;
	v24 =	vadd.s32 s30, v24  }
0x81: {  	(xrf0) =	vadd.scan.msk.s32 $0xffff, v8;
	(v2sf) =	vpush v32, $0xF;
	v28 =	vadd.s32 v19, v24;
	v24 =	vadd.s32 s0, v24  }
0x82: {  	s29 =	spop (v2sf);
	v19 =	vld [tilespmem:s25+$0x10];
	v62 =	vsub.s32 v28, v17;
	v33 =	vadd.s32 v22, v24;
	v17 =	vadd.s32 s2, v24  }
0x83: {  	(xrf0) =	vadd.scan.msk.s32 $0xffff, v12;
	s8 =	sxor.u32 $0x80000000, s29;
	v22, _, _ =	vpop (xrf0);
	vm0 =	vge.s32 v28, v4;
	vm1 =	vlt.s32 v62, v4;
	v23 =	vadd.s32 v23, v17  }
0x84: {  	(v2sf) =	vpush v22, $0xF;
	v24 =	vadd.s32 s8, v17;
	vm0 =	vmand vm0, vm1  }
0x85: {  	(xrf0) =	vadd.scan.msk.s32 $0xffff, v18;
	v22 =	vadd.s32 v24, v26;
	v21 =	vsub.s32 v23, v21;
	vm2 =	vge.s32 v23, v4  }
0x86: {  	v26 =	vnsel vm0, $0x0, v31;
	vm1 =	vge.s32 v22, v4;
	vm3 =	vlt.s32 v21, v4  }
0x87: {  	v17, _, _ =	vpop (xrf0);
	v25 =	vsub.s32 v22, v25;
	v31 =	vsub.s32 v33, v20;
	v32 =	vnsel vm0, $0x0, v62;
	(xrf0) =	vadd.scan.msk.s32 $0xffff, v19  }
0x88: {  	vm2 =	vmand vm2, vm3;
	v20 =	vxor.u32 $0x80000000, v17;
	v27 =	vadd.s32 v26, v27  }
0x89: {  	[tilespmem:s25+$0x0] =	vst v1;
	vm3 =	vge.s32 v33, v4;
	vm0 =	vlt.s32 v31, v4;
	v22, _, _ =	vpop (xrf0);
	v28 =	vnsel vm2, $0x0, v30  }
0x8a: {  	[tilespmem:s25+$0xFFFFFFE0] =	vst v1;
	v21 =	vnsel vm2, $0x0, v21;
	vm2 =	vlt.s32 v25, v4;
	v26 =	vxor.u32 $0x80000000, v22  }
0x8b: {  	[tilespmem:s25+$0x10] =	vst v1;
	vm3 =	vmand vm3, vm0;
	v23, _, _ =	vpop (xrf0);
	vm0 =	vmand vm1, vm2;
	(xrf0) =	vmax.scan.msk.u32 $0xffff, v26  }
0x8c: {  	v30 =	vxor.u32 $0x80000000, v23;
	v26 =	vadd.s32 v32, v29;
	v29 =	vnsel vm3, $0x0, v63;
	(xrf0) =	vmax.scan.msk.u32 $0xffff, v20  }
0x8d: {  	s30 =	simm.s32 $0x100E0;
	s29 =	simm.s32 $0xC0;
	v25 =	vnsel vm0, $0x0, v25;
	v29 =	vadd.s32 v29, v27;
	v27 =	vnsel vm3, $0x0, v31;
	(xrf0) =	vmax.scan.msk.u32 $0xffff, v30;
	v20, _, _ =	vpop (xrf0)  }
.LBB2_7:
0x8e: {  	p1 =	sne.s32 s29, $0x7C0;
	s1 =	spop (v2sf);
	s31 =	smov.u32 s29  }
0x8f: {  	v30 =	vld [tilespmem:s30+$0x0];
	v31 =	vxor.u32 $0x80000000, v20;
	[tilespmem:s23+$0xFFFFFFF0] =	vst v1;
	v32 =	vadd.s32 v27, v26;
	v27 =	vadd.s32 v28, v29;
	v28 =	vmovc v19;
	s29 =	sadd.s32 $0x40, s29;
	s23 =	smov.u32 s24;
	s24 =	smov.u32 s25  }
0x90: {  	v19 =	vnsel vm0, $0x0, v16;
	s0 =	sadd.s32 $0x30, s28;
	v16 =	vmovc v9;
	s25 =	smov.u32 s30;
	v29 =	vld [tilespmem:s30+$0xFFFFFFF0];
	[tilespmem:s30+$0x0] =	vst v1;
	(xrf0) =	vmax.scan.msk.u32 $0xffff, v31;
	s2 =	spop (v2sf);
	v21 =	vadd.s32 v21, v32  }
0x91: {  	s8 =	sadd.s32 $0x10, s28;
	v9 =	vor.u32 s31, v2;
	v32 =	vor.u32 s0, v2;
	v31 =	vld [tilespmem:s30+$0xFFFFFFE0];
	v26, _, _ =	vpop (xrf0);
	s0 =	spop (v2sf)  }
0x92: {  	v27 =	vadd.s32 v27, v19;
	v33 =	vor.u32 s8, v2;
	[tilespmem:s30+$0xFFFFFFE0] =	vst v1;
	(v2sf) =	vpush v26, $0xF;
	v26, _, _ =	vpop (xrf0);
	s0 =	sxor.u32 $0x80000000, s0  }
0x93: {  	v25 =	vadd.s32 v21, v25;
	v19, _, _ =	vpop (xrf0);
	(v2sf) =	vpush v26, $0xF;
	v21 =	vadd.s32 s0, v24;
	s0 =	sxor.u32 $0x80000000, s1  }
0x94: {  	(xrf0) =	vadd.scan.msk.s32 $0xffff, v30;
	(v2sf) =	vpush v19, $0xF;
	v24 =	vadd.s32 v13, v21;
	v21 =	vadd.s32 s0, v21;
	s0 =	sxor.u32 $0x80000000, s2;
	s1 =	spop (v2sf);
	v13 =	vmovc v22  }
0x95: {  	v19 =	vld [tilespmem:s30+$0x10];
	(xrf0) =	vadd.scan.msk.s32 $0xffff, v29;
	v26 =	vsub.s32 v24, v11;
	v34 =	vadd.s32 v14, v21;
	v22 =	vadd.s32 s0, v21;
	s0 =	sxor.u32 $0x80000000, s1;
	v11 =	vmovc v12  }
0x96: {  	vm0 =	vge.s32 v24, v4;
	(xrf0) =	vadd.scan.msk.s32 $0xffff, v31;
	v12, _, _ =	vpop (xrf0);
	vm1 =	vlt.s32 v26, v4;
	v21 =	vadd.s32 v15, v22  }
0x97: {  	v14 =	vmovc v17;
	v24 =	vadd.s32 s0, v22;
	[tilespmem:s30+$0x10] =	vst v1;
	(v2sf) =	vpush v12, $0xF;
	vm1 =	vmand vm0, vm1;
	v12 =	vmovc v29  }
0x98: {  	v15 =	vmovc v20;
	v22 =	vadd.s32 v24, v23;
	v29 =	vsub.s32 v21, v10;
	v10 =	vmovc v28;
	v23 =	vnsel vm1, $0x0, v33  }
0x99: {  	vm2 =	vge.s32 v21, v4;
	vm0 =	vge.s32 v22, v4;
	vm3 =	vlt.s32 v29, v4  }
0x9a: {  	v35 =	vsub.s32 v34, v7;
	v33 =	vsub.s32 v22, v18;
	vm2 =	vmand vm2, vm3;
	v17, _, _ =	vpop (xrf0);
	(xrf0) =	vadd.scan.msk.s32 $0xffff, v19  }
0x9b: {  	v27 =	vadd.s32 v23, v27;
	vm3 =	vge.s32 v34, v4;
	v18 =	vxor.u32 $0x80000000, v17;
	v22, _, _ =	vpop (xrf0)  }
.Ltmp6:
0x9c: {  	v28 =	vnsel vm2, $0x0, v32;
	v21 =	vnsel vm2, $0x0, v29;
	v34 =	vxor.u32 $0x80000000, v22;
	v23, _, _ =	vpop (xrf0);
	(pc) =	sbr.rel @p1 .LBB2_7-.Ltmp6, $4  }
0x9d: {  	s0 =	sadd.s32 $0x20, s28;
	v7 =	vmovc v8;
	s28 =	smov.u32 s26;
	s26 =	smov.u32 s31;
	v26 =	vnsel vm1, $0x0, v26;
	vm1 =	vlt.s32 v35, v4;
	v20 =	vxor.u32 $0x80000000, v23;
	(xrf0) =	vmax.scan.msk.u32 $0xffff, v34  }
0x9e: {  	v8 =	vmovc v30;
	vm2 =	vlt.s32 v33, v4;
	vm1 =	vmand vm3, vm1;
	v32 =	vor.u32 s0, v2;
	(xrf0) =	vmax.scan.msk.u32 $0xffff, v18  }
0x9f: {  	v26 =	vadd.s32 v26, v25;
	vm0 =	vmand vm0, vm2;
	v29 =	vnsel vm1, $0x0, v32;
	v18 =	vmovc v31;
	(xrf0) =	vmax.scan.msk.u32 $0xffff, v20  }
0xa0: {  	s30 =	sadd.s32 $0x40, s30;
	v25 =	vnsel vm0, $0x0, v33;
	v29 =	vadd.s32 v29, v27;
	v27 =	vnsel vm1, $0x0, v35;
	v20, _, _ =	vpop (xrf0)  }
0xa1: {  	_ =	sdelay $0x1  }
0xa2: {  	v30, _, _ =	vpop (xrf0)  }
0xa3: {  	(v2sf) =	vpush v30, $0xF;
	v44, _, _ =	vpop (xrf0)  }
0xa4: {  	(v2sf) =	vpush v44, $0xF;
	v45, _, _ =	vpop (xrf0)  }
0xa5: {  	(v2sf) =	vpush v45, $0xF;
	_ =	sdelay $0x1  }
0xa6: {  	s0 =	spop (v2sf)  }
0xa7: {  	s1 =	spop (v2sf)  }
0xa8: {  	s2 =	spop (v2sf)  }
0xa9: {  	v28 =	vadd.s32 v28, v29;
	v16 =	vnsel vm0, $0x0, v16;
	s8 =	sadd.s32 $0x30, s28;
	s2 =	sxor.u32 $0x80000000, s2  }
0xaa: {  	v46 =	vor.u32 s8, v2;
	s8 =	sadd.s32 $0x10, s28;
	v16 =	vadd.s32 v28, v16;
	s0 =	sxor.u32 $0x80000000, s0;
	v24 =	vadd.s32 s2, v24  }
0xab: {  	v47 =	vor.u32 s8, v2;
	s29 =	sxor.u32 $0x80000000, s1;
	v13 =	vadd.s32 v13, v24;
	v24 =	vadd.s32 s0, v24;
	s30 =	spop (v2sf)  }
0xac: {  	v11 =	vsub.s32 v13, v11;
	v14 =	vadd.s32 v14, v24;
	v24 =	vadd.s32 s29, v24;
	s31 =	sxor.u32 $0x80000000, s30  }
0xad: {  	vm9 =	vge.s32 v13, v4;
	vm1 =	vlt.s32 v11, v4;
	v48 =	vadd.s32 s31, v24  }
0xae: {  	v15 =	vadd.s32 v15, v24;
	v7 =	vsub.s32 v14, v7;
	vm11 =	vge.s32 v14, v4  }
0xaf: {  	s31 =	sadd.s32 $0x20, s28;
	vm0 =	vmand vm9, vm1;
	v23 =	vadd.s32 v48, v23;
	v10 =	vsub.s32 v15, v10  }
0xb0: {  	s28 =	sadd.s32 $0x10, s26;
	vm10 =	vge.s32 v15, v4;
	vm4 =	vlt.s32 v7, v4;
	v51 =	vor.u32 s31, v2  }
0xb1: {  	v57 =	vor.u32 s28, v2;
	v49 =	vnsel vm0, $0x0, v47;
	vm3 =	vlt.s32 v10, v4;
	s1 =	spop (v2sf)  }
0xb2: {  	vm2 =	vge.s32 v23, v4;
	v50 =	vsub.s32 v23, v18;
	vm1 =	vmand vm10, vm3;
	s29 =	spop (v2sf)  }
0xb3: {  	v16 =	vadd.s32 v49, v16;
	vm5 =	vlt.s32 v50, v4;
	vm3 =	vmand vm11, vm4;
	s30 =	spop (v2sf)  }
0xb4: {  	vm2 =	vmand vm2, vm5;
	v14 =	vnsel vm3, $0x0, v51;
	v56 =	vnsel vm1, $0x0, v46;
	s2 =	sxor.u32 $0x80000000, s30  }
0xb5: {  	v14 =	vadd.s32 v14, v16;
	v9 =	vnsel vm2, $0x0, v9;
	s0 =	sxor.u32 $0x80000000, s1;
	s8 =	sxor.u32 $0x80000000, s29;
	s29 =	sadd.s32 $0x20, s26;
	v13 =	vadd.s32 s2, v48  }
0xb6: {  	v59 =	vor.u32 s29, v2;
	v52 =	vadd.s32 v22, v13;
	v13 =	vadd.s32 s0, v13  }
0xb7: {  	v12 =	vsub.s32 v52, v12;
	v53 =	vadd.s32 s8, v13;
	vm12 =	vge.s32 v52, v4  }
0xb8: {  	v13 =	vadd.s32 v17, v13;
	vm13 =	vlt.s32 v12, v4;
	v54 =	vadd.s32 v20, v53  }
0xb9: {  	v8 =	vsub.s32 v13, v8;
	vm15 =	vge.s32 v13, v4;
	v13 =	vadd.s32 v56, v14  }
0xba: {  	vm4 =	vmand vm12, vm13;
	v55 =	vsub.s32 v54, v19;
	vm14 =	vge.s32 v54, v4  }
0xbb: {  	vm7 =	vlt.s32 v8, v4;
	v9 =	vadd.s32 v13, v9;
	vm6 =	vlt.s32 v55, v4  }
0xbc: {  	s30 =	sadd.s32 $0x30, s26;
	v58 =	vnsel vm4, $0x0, v57;
	vm5 =	vmand vm14, vm6;
	vm6 =	vmand vm15, vm7  }
0xbd: {  	v60 =	vor.u32 s30, v2;
	v9 =	vadd.s32 v58, v9;
	v61 =	vnsel vm6, $0x0, v59  }
0xbe: {  	v62 =	vnsel vm5, $0x0, v60;
	v9 =	vadd.s32 v61, v9  }
0xbf: {  	v63 =	vxor.u32 $0x80000000, v20;
	v9 =	vadd.s32 v62, v9  }
0xc0: {  	(xrf0) =	vmax.scan.msk.u32 $0xffff, v63;
	v9 =	vxor.u32 $0x80000000, v9  }
0xc1: {  	(xrf0) =	vmax.scan.msk.u32 $0xffff, v9;
	_ =	sdelay $0x4  }
0xc2: {  	v9, _, _ =	vpop (xrf0)  }
0xc3: {  	(v2sf) =	vpush v9, $0xF;
	v9, _, _ =	vpop (xrf0)  }
0xc4: {  	(v2sf) =	vpush v9, $0xF;
	_ =	sdelay $0x7  }
0xc5: {  	v9 =	vadd.s32 v27, v26  }
0xc6: {  	v9 =	vadd.s32 v21, v9  }
0xc7: {  	v11 =	vnsel vm0, $0x0, v11;
	v9 =	vadd.s32 v9, v25  }
0xc8: {  	v7 =	vnsel vm3, $0x0, v7;
	v9 =	vadd.s32 v11, v9  }
0xc9: {  	v10 =	vnsel vm1, $0x0, v10;
	v7 =	vadd.s32 v7, v9  }
0xca: {  	[tilespmem:s23+$0xFFFFFFF0] =	vst v1;
	v9 =	vnsel vm2, $0x0, v50;
	v7 =	vadd.s32 v10, v7  }
0xcb: {  	[tilespmem:s24+$0xFFFFFFF0] =	vst v1;
	v7 =	vadd.s32 v7, v9;
	v9 =	vnsel vm4, $0x0, v12;
	s31 =	spop (v2sf)  }
0xcc: {  	[tilespmem:s25+$0xFFFFFFF0] =	vst v1;
	v8 =	vnsel vm6, $0x0, v8;
	v7 =	vadd.s32 v9, v7;
	s23 =	spop (v2sf)  }
0xcd: {  	v9 =	vnsel vm5, $0x0, v55;
	v7 =	vadd.s32 v8, v7;
	s0 =	sxor.u32 $0x80000000, s23;
	_ =	strace $0x9000004A  }
0xce: {  	s24 =	simm.s32 $0x0;
	s25 =	simm.s32 $0x8020;
	v8 =	vadd.s32 v9, v7;
	_ =	strace $0x8000004B;
	v7 =	vmov s0  }
.LBB2_9:
0xcf: {  	v9 =	vld [tilespmem:s25+$0xFFFFFFE0];
	_ =	sdelay $0x4  }
0xd0: {  	v10 =	vshrl.u32 v9, $0x15  }
0xd1: {  	v9 =	vshrl.u32 v9, $0xA;
	vm0 =	veq.s32 v10, v7  }
0xd2: {  	v9 =	vand.u32 $0x7FF, v9;
	_ =	sdelay $0x4  }
0xd3: {  	v10 =	vor.u32 s24, v2;
	[tilespmem:v9+s13+$0x0] =	vst.idx.add.s32.msk vm0, v0  }
0xd4: {  	[tilespmem:v9+s14+$0x0] =	vst.idx.add.s32.msk vm0, v10  }
0xd5: {  	v9 =	vld [tilespmem:s25+$0xFFFFFFF0];
	_ =	sdelay $0x4  }
0xd6: {  	v10 =	vshrl.u32 v9, $0x15  }
0xd7: {  	v9 =	vshrl.u32 v9, $0xA;
	vm13 =	veq.s32 v10, v7  }
0xd8: {  	v9 =	vand.u32 $0x7FF, v9;
	_ =	sdelay $0x3  }
0xd9: {  	s0 =	sadd.s32 $0x10, s24  }
0xda: {  	v10 =	vor.u32 s0, v2;
	[tilespmem:v9+s13+$0x0] =	vst.idx.add.s32.msk vm13, v0  }
0xdb: {  	[tilespmem:v9+s14+$0x0] =	vst.idx.add.s32.msk vm13, v10  }
0xdc: {  	v9 =	vld [tilespmem:s25+$0x0];
	_ =	sdelay $0x4  }
0xdd: {  	v10 =	vshrl.u32 v9, $0x15  }
0xde: {  	v9 =	vshrl.u32 v9, $0xA;
	vm14 =	veq.s32 v10, v7  }
0xdf: {  	v9 =	vand.u32 $0x7FF, v9;
	_ =	sdelay $0x3  }
0xe0: {  	s30 =	sadd.s32 $0x20, s24  }
0xe1: {  	v10 =	vor.u32 s30, v2;
	[tilespmem:v9+s13+$0x0] =	vst.idx.add.s32.msk vm14, v0  }
0xe2: {  	[tilespmem:v9+s14+$0x0] =	vst.idx.add.s32.msk vm14, v10  }
0xe3: {  	v9 =	vld [tilespmem:s25+$0x10];
	_ =	sdelay $0x4  }
0xe4: {  	v10 =	vshrl.u32 v9, $0x15  }
0xe5: {  	v9 =	vshrl.u32 v9, $0xA;
	vm15 =	veq.s32 v10, v7  }
0xe6: {  	v9 =	vand.u32 $0x7FF, v9  }
0xe7: {  	p1 =	sne.s32 s24, $0x7FC0  }
.Ltmp7:
0xe8: {  	_ = 	snop;
	(pc) =	sbr.rel @p1 .LBB2_9-.Ltmp7, $4  }
0xe9: {  	_ = 	snop  }
0xea: {  	s31 =	sadd.s32 $0x30, s24  }
0xeb: {  	v10 =	vor.u32 s31, v2;
	[tilespmem:v9+s13+$0x0] =	vst.idx.add.s32.msk vm15, v0  }
0xec: {  	s24 =	sadd.s32 $0x40, s24;
	s25 =	sadd.s32 $0x40, s25;
	[tilespmem:v9+s14+$0x0] =	vst.idx.add.s32.msk vm15, v10  }
0xed: {  	v8 =	vxor.u32 $0x80000000, v8  }
0xee: {  	(xrf0) =	vmax.scan.msk.u32 $0xffff, v8;
	_ =	sdelay $0x5  }
0xef: {  	v8, _, _ =	vpop (xrf0)  }
0xf0: {  	(v2sf) =	vpush v8, $0xF;
	_ =	sdelay $0xe  }
0xf1: {  	s0 =	spop (v2sf)  }
0xf2: {  	_ =	strace $0x9000004B  }
0xf3: {  	s1 =	simm.s32 $0x10820;
	_ =	strace $0x8000004C  }
0xf4: {  	s2 =	simm.s32 $0x11020;
	v27 =	vld [tilespmem:s1+$0xFFFFFFE0]  }
0xf5: {  	v22 =	vld [tilespmem:s2+$0xFFFFFFE0];
	[tilespmem:s1+$0xFFFFFFE0] =	vst v1  }
0xf6: {  	[tilespmem:s2+$0xFFFFFFE0] =	vst v1  }
0xf7: {  	v28 =	vld [tilespmem:s1+$0xFFFFFFF0]  }
0xf8: {  	v26 =	vld [tilespmem:s2+$0xFFFFFFF0];
	[tilespmem:s1+$0xFFFFFFF0] =	vst v1  }
0xf9: {  	[tilespmem:s2+$0xFFFFFFF0] =	vst v1  }
0xfa: {  	v24 =	vld [tilespmem:s1+$0x0];
	(xrf0) =	vadd.scan.msk.s32 $0xffff, v27;
	_ =	sdelay $0x1  }
0xfb: {  	(xrf0) =	vadd.scan.msk.s32 $0xffff, v28;
	_ =	sdelay $0x2  }
0xfc: {  	(xrf0) =	vadd.scan.msk.s32 $0xffff, v24  }
0xfd: {  	v13, _, _ =	vpop (xrf0)  }
0xfe: {  	v8 =	vxor.u32 $0x80000000, v13  }
0xff: {  	v15, _, _ =	vpop (xrf0);
	(xrf0) =	vmax.scan.msk.u32 $0xffff, v8  }
0x100: {  	v23 =	vld [tilespmem:s2+$0x0];
	[tilespmem:s1+$0x0] =	vst v1;
	v8 =	vxor.u32 $0x80000000, v15  }
0x101: {  	[tilespmem:s2+$0x0] =	vst v1;
	v34 =	vld [tilespmem:s2+$0x10];
	(xrf0) =	vmax.scan.msk.u32 $0xffff, v8  }
0x102: {  	v20 =	vld [tilespmem:s1+$0x10];
	[tilespmem:s1+$0x10] =	vst v1;
	v19, _, _ =	vpop (xrf0)  }
0x103: {  	s1 =	simm.s32 $0x10860;
	[tilespmem:s2+$0x10] =	vst v1;
	v8 =	vxor.u32 $0x80000000, v19  }
0x104: {  	s2 =	simm.s32 $0x11060;
	v14 =	vld [tilespmem:s1+$0xFFFFFFE0];
	(xrf0) =	vmax.scan.msk.u32 $0xffff, v8  }
0x105: {  	v8 =	vld [tilespmem:s2+$0xFFFFFFE0];
	[tilespmem:s1+$0xFFFFFFE0] =	vst v1;
	v9, _, _ =	vpop (xrf0)  }
0x106: {  	[tilespmem:s2+$0xFFFFFFE0] =	vst v1;
	v10 =	vld [tilespmem:s2+$0xFFFFFFF0];
	(v2sf) =	vpush v9, $0xF  }
0x107: {  	v17 =	vld [tilespmem:s1+$0xFFFFFFF0];
	[tilespmem:s1+$0xFFFFFFF0] =	vst v1;
	v9, _, _ =	vpop (xrf0)  }
0x108: {  	[tilespmem:s2+$0xFFFFFFF0] =	vst v1;
	(v2sf) =	vpush v9, $0xF  }
0x109: {  	(xrf0) =	vadd.scan.msk.s32 $0xffff, v14;
	v16 =	vld [tilespmem:s1+$0x0]  }
0x10a: {  	(xrf0) =	vadd.scan.msk.s32 $0xffff, v20;
	v9, _, _ =	vpop (xrf0)  }
0x10b: {  	(v2sf) =	vpush v9, $0xF  }
0x10c: {  	(xrf0) =	vadd.scan.msk.s32 $0xffff, v17;
	_ =	sdelay $0x1  }
0x10d: {  	(xrf0) =	vadd.scan.msk.s32 $0xffff, v16  }
0x10e: {  	v31, _, _ =	vpop (xrf0)  }
0x10f: {  	v9 =	vxor.u32 $0x80000000, v31;
	v21, _, _ =	vpop (xrf0)  }
0x110: {  	(xrf0) =	vmax.scan.msk.u32 $0xffff, v9;
	v9 =	vxor.u32 $0x80000000, v21  }
0x111: {  	v35, _, _ =	vpop (xrf0);
	(xrf0) =	vmax.scan.msk.u32 $0xffff, v9  }
0x112: {  	v9 =	vxor.u32 $0x80000000, v35  }
0x113: {  	s24 =	simm.s32 $0x10;
	(xrf0) =	vmax.scan.msk.u32 $0xffff, v9;
	v37, _, _ =	vpop (xrf0)  }
0x114: {  	v29 =	vimm.s32 $0x0;
	s25 =	simm.s32 $0x20;
	v30 =	vor.u32 s24, v2;
	s0 =	sxor.u32 $0x80000000, s0;
	v18 =	vxor.u32 $0x80000000, v37;
	s8 =	spop (v2sf)  }
0x115: {  	v32 =	vor.u32 s25, v2;
	v12 =	vmov s0;
	v11 =	vld [tilespmem:s2+$0x0];
	[tilespmem:s1+$0x0] =	vst v1;
	(xrf0) =	vmax.scan.msk.u32 $0xffff, v18;
	s8 =	sxor.u32 $0x80000000, s8  }
0x116: {  	s26 =	simm.s32 $0x0;
	v13 =	vadd.s32 v29, v13;
	[tilespmem:s2+$0x0] =	vst v1;
	v9 =	vsub.s32 v4, v12;
	v12 =	vld [tilespmem:s2+$0x10];
	v36, _, _ =	vpop (xrf0);
	s30 =	spop (v2sf);
	v25 =	vadd.s32 s8, v29  }
0x117: {  	v33 =	vor.u32 s26, v2;
	v42 =	vsub.s32 v13, v27;
	v18 =	vld [tilespmem:s1+$0x10];
	(v2sf) =	vpush v36, $0xF;
	[tilespmem:s1+$0x10] =	vst v1;
	v51, _, _ =	vpop (xrf0);
	s31 =	sxor.u32 $0x80000000, s30  }
0x118: {  	s26 =	simm.s32 $0x108A0;
	vm1 =	vge.s32 v13, v9;
	[tilespmem:s2+$0x10] =	vst v1;
	(v2sf) =	vpush v51, $0xF;
	v38 =	vadd.s32 s31, v25  }
0x119: {  	s24 =	simm.s32 $0x30;
	vm3 =	vlt.s32 v42, v9;
	v52 =	vadd.s32 v15, v25;
	s8 =	spop (v2sf);
	v39 =	vadd.s32 v19, v38;
	v19 =	vld [tilespmem:s26+$0xFFFFFFE0];
	v25, _, _ =	vpop (xrf0)  }
0x11a: {  	s28 =	simm.s32 $0x110A0;
	v58 =	vor.u32 s24, v2;
	vm1 =	vmand vm1, vm3;
	s0 =	sxor.u32 $0x80000000, s8;
	(v2sf) =	vpush v25, $0xF  }
0x11b: {  	v54 =	vnsel vm1, $0x0, v22;
	v55 =	vnsel vm1, $0x0, v42;
	v15 =	vld [tilespmem:s28+$0xFFFFFFE0];
	[tilespmem:s26+$0xFFFFFFE0] =	vst v1;
	v38 =	vadd.s32 s0, v38;
	v41, _, _ =	vpop (xrf0)  }
0x11c: {  	v27 =	vnsel vm1, $0x0, v27;
	[tilespmem:s28+$0xFFFFFFE0] =	vst v1;
	v13 =	vld [tilespmem:s28+$0xFFFFFFF0];
	v21 =	vadd.s32 v21, v38;
	(v2sf) =	vpush v41, $0xF  }
0x11d: {  	v33 =	vnsel vm1, $0x0, v33;
	[tilespmem:s26+$0xFFFFFFF0] =	vst v1;
	v25 =	vsub.s32 v21, v20;
	vm0 =	vge.s32 v21, v9;
	v21 =	vld [tilespmem:s26+$0xFFFFFFF0]  }
0x11e: {  	v33 =	vadd.s32 v29, v33;
	v53 =	vsub.s32 v52, v28;
	[tilespmem:s28+$0xFFFFFFF0] =	vst v1;
	(xrf0) =	vadd.scan.msk.s32 $0xffff, v19  }
0x11f: {  	v43 =	vadd.s32 v29, v27;
	vm4 =	vge.s32 v52, v9;
	vm5 =	vlt.s32 v53, v9;
	v22 =	vld [tilespmem:s26+$0x0]  }
0x120: {  	v40 =	vsub.s32 v39, v24;
	vm2 =	vge.s32 v39, v9;
	vm4 =	vmand vm4, vm5;
	(xrf0) =	vadd.scan.msk.s32 $0xffff, v18  }
0x121: {  	vm3 =	vlt.s32 v40, v9;
	v41 =	vadd.s32 v29, v55;
	v56 =	vnsel vm4, $0x0, v28  }
0x122: {  	v28 =	vnsel vm4, $0x0, v26;
	v27 =	vnsel vm4, $0x0, v53;
	v29 =	vadd.s32 v29, v54;
	(xrf0) =	vadd.scan.msk.s32 $0xffff, v21  }
0x123: {  	v30 =	vnsel vm4, $0x0, v30;
	vm1 =	vmand vm2, vm3;
	v28 =	vadd.s32 v28, v29  }
0x124: {  	v60 =	vadd.s32 v56, v43;
	v32 =	vnsel vm1, $0x0, v32;
	v57 =	vnsel vm1, $0x0, v24;
	(xrf0) =	vadd.scan.msk.s32 $0xffff, v22;
	v26, _, _ =	vpop (xrf0)  }
0x125: {  	v24 =	vadd.s32 v30, v33;
	v23 =	vnsel vm1, $0x0, v23;
	v29 =	vxor.u32 $0x80000000, v26  }
0x126: {  	s24 =	simm.s32 $0x40;
	v30 =	vnsel vm1, $0x0, v40;
	vm2 =	vlt.s32 v25, v9;
	v33 =	vadd.s32 v32, v24;
	s25 =	spop (v2sf);
	v44, _, _ =	vpop (xrf0);
	(xrf0) =	vmax.scan.msk.u32 $0xffff, v29  }
0x127: {  	s30 =	simm.s32 $0x50;
	s31 =	simm.s32 $0x60;
	v24 =	vadd.s32 v23, v28;
	v23 =	vadd.s32 v27, v41;
	s8 =	spop (v2sf);
	v59 =	vxor.u32 $0x80000000, v44  }
0x128: {  	v27 =	vor.u32 s30, v2;
	v28 =	vor.u32 s31, v2;
	v32 =	vor.u32 s24, v2;
	s0 =	sxor.u32 $0x80000000, s8;
	(xrf0) =	vmax.scan.msk.u32 $0xffff, v59;
	v29, _, _ =	vpop (xrf0)  }
0x129: {  	v39 =	vadd.s32 v57, v60;
	s1 =	sxor.u32 $0x80000000, s25;
	v38 =	vadd.s32 s0, v38;
	v61 =	vxor.u32 $0x80000000, v29;
	s25 =	spop (v2sf)  }
0x12a: {  	v36 =	vadd.s32 v30, v23;
	v42 =	vadd.s32 v38, v31;
	v38 =	vadd.s32 s1, v38;
	v30, _, _ =	vpop (xrf0);
	s30 =	sxor.u32 $0x80000000, s25;
	(xrf0) =	vmax.scan.msk.u32 $0xffff, v61  }
0x12b: {  	vm2 =	vmand vm0, vm2;
	v23 =	vld [tilespmem:s28+$0x0];
	[tilespmem:s26+$0x0] =	vst v1;
	v62 =	vxor.u32 $0x80000000, v30;
	s31 =	spop (v2sf);
	v45 =	vadd.s32 s30, v38  }
0x12c: {  	v31 =	vld [tilespmem:s28+$0x10];
	vm1 =	vge.s32 v42, v9;
	v43 =	vadd.s32 v35, v38;
	s0 =	sxor.u32 $0x80000000, s31;
	v46, _, _ =	vpop (xrf0);
	v47 =	vadd.s32 v37, v45;
	(xrf0) =	vmax.scan.msk.u32 $0xffff, v62  }
0x12d: {  	[tilespmem:s28+$0x0] =	vst v1;
	v38 =	vadd.s32 s0, v45;
	v37 =	vnsel vm2, $0x0, v34;
	(v2sf) =	vpush v46, $0xF  }
0x12e: {  	s29 =	simm.s32 $0x108E0;
	v35 =	vld [tilespmem:s26+$0x10];
	[tilespmem:s26+$0x10] =	vst v1;
	v34 =	vsub.s32 v47, v16;
	v45 =	vadd.s32 v44, v38;
	v63, _, _ =	vpop (xrf0);
	v44 =	vnsel vm2, $0x0, v58  }
0x12f: {  	s26 =	simm.s32 $0xC0;
	s25 =	simm.s32 $0x80;
	[tilespmem:s28+$0x10] =	vst v1;
	s28 =	simm.s32 $0x110E0;
	vm3 =	vge.s32 v47, v9;
	v41 =	vsub.s32 v45, v18;
	(v2sf) =	vpush v63, $0xF  }
.LBB2_11:
0x130: {  	v46 =	vld [tilespmem:s29+$0xFFFFFFE0];
	p1 =	sne.s32 s26, $0x7C0;
	v40, _, _ =	vpop (xrf0);
	v47 =	vsub.s32 v43, v17;
	vm0 =	vge.s32 v45, v9;
	v33 =	vadd.s32 v44, v33;
	s30 =	smov.u32 s26;
	s26 =	sadd.s32 $0x40, s26  }
0x131: {  	v45 =	vnsel vm2, $0x0, v20;
	v24 =	vadd.s32 v37, v24;
	v20 =	vmovc v18;
	v44 =	vld [tilespmem:s28+$0xFFFFFFE0];
	(v2sf) =	vpush v40, $0xF;
	v40 =	vmovc v31  }
0x132: {  	vm4 =	vge.s32 v43, v9;
	v31 =	vsub.s32 v42, v14;
	v42 =	vnsel vm2, $0x0, v25;
	[tilespmem:s29+$0xFFFFFFE0] =	vst v1;
	v18, _, _ =	vpop (xrf0)  }
0x133: {  	vm2 =	vlt.s32 v31, v9;
	v36 =	vadd.s32 v42, v36;
	[tilespmem:s28+$0xFFFFFFE0] =	vst v1;
	v37 =	vld [tilespmem:s28+$0xFFFFFFF0];
	(v2sf) =	vpush v18, $0xF;
	v18 =	vmovc v35  }
0x134: {  	v39 =	vadd.s32 v45, v39;
	v25 =	vmovc v41;
	vm1 =	vmand vm1, vm2;
	vm2 =	vlt.s32 v34, v9;
	v35 =	vld [tilespmem:s29+$0xFFFFFFF0];
	[tilespmem:s29+$0xFFFFFFF0] =	vst v1  }
0x135: {  	vm5 =	vlt.s32 v47, v9;
	v41 =	vnsel vm1, $0x0, v8;
	v8 =	vmovc v15;
	[tilespmem:s28+$0xFFFFFFF0] =	vst v1;
	(xrf0) =	vadd.scan.msk.s32 $0xffff, v46  }
0x136: {  	vm4 =	vmand vm4, vm5;
	v45 =	vnsel vm1, $0x0, v31;
	v31 =	vnsel vm1, $0x0, v14;
	v14 =	vmovc v19;
	v19 =	vmovc v46;
	v42 =	vld [tilespmem:s29+$0x0]  }
0x137: {  	v32 =	vnsel vm1, $0x0, v32;
	vm1 =	vmand vm3, vm2;
	v36 =	vadd.s32 v36, v45;
	v15 =	vmovc v44;
	v43 =	vld [tilespmem:s28+$0x0];
	(xrf0) =	vadd.scan.msk.s32 $0xffff, v18  }
0x138: {  	v32 =	vadd.s32 v33, v32;
	v33 =	vnsel vm4, $0x0, v10;
	v10 =	vmovc v13;
	v44 =	vnsel vm4, $0x0, v17;
	[tilespmem:s29+$0x0] =	vst v1;
	v13 =	vmovc v37  }
0x139: {  	v31 =	vadd.s32 v39, v31;
	v28 =	vnsel vm1, $0x0, v28;
	v17 =	vmovc v21;
	v37 =	vnsel vm4, $0x0, v47;
	(xrf0) =	vadd.scan.msk.s32 $0xffff, v35  }
0x13a: {  	v27 =	vnsel vm4, $0x0, v27;
	v24 =	vadd.s32 v24, v41;
	v39 =	vnsel vm1, $0x0, v16;
	v16 =	vmovc v22;
	v21 =	vmovc v35;
	[tilespmem:s28+$0x0] =	vst v1  }
0x13b: {  	v45 =	vnsel vm1, $0x0, v11;
	v32 =	vadd.s32 v27, v32;
	v24 =	vadd.s32 v33, v24;
	v35, _, _ =	vpop (xrf0);
	(xrf0) =	vadd.scan.msk.s32 $0xffff, v42  }
0x13c: {  	s1 =	sadd.s32 $0x30, s24;
	s24 =	smov.u32 s25;
	v11 =	vmovc v23;
	v33 =	vadd.s32 v28, v32;
	v24 =	vadd.s32 v45, v24;
	v22 =	vmovc v42;
	v27 =	vxor.u32 $0x80000000, v35;
	s0 =	spop (v2sf)  }
0x13d: {  	s2 =	sadd.s32 $0x10, s24;
	s8 =	sadd.s32 $0x20, s24;
	s25 =	smov.u32 s30;
	v34 =	vnsel vm1, $0x0, v34;
	v46 =	vor.u32 s1, v2;
	v36 =	vadd.s32 v37, v36;
	(xrf0) =	vmax.scan.msk.u32 $0xffff, v27;
	v41, _, _ =	vpop (xrf0)  }
0x13e: {  	v28 =	vor.u32 s8, v2;
	v23 =	vmovc v43;
	v27 =	vor.u32 s2, v2;
	v37 =	vxor.u32 $0x80000000, v41;
	s1 =	spop (v2sf)  }
0x13f: {  	v32 =	vor.u32 s24, v2;
	v31 =	vadd.s32 v44, v31;
	v36 =	vadd.s32 v34, v36;
	v45, _, _ =	vpop (xrf0);
	(xrf0) =	vmax.scan.msk.u32 $0xffff, v37;
	s1 =	sxor.u32 $0x80000000, s1  }
0x140: {  	v39 =	vadd.s32 v39, v31;
	s0 =	sxor.u32 $0x80000000, s0;
	v37 =	vxor.u32 $0x80000000, v45;
	s2 =	spop (v2sf);
	v31 =	vadd.s32 s1, v38  }
0x141: {  	vm2 =	vlt.s32 v25, v9;
	(xrf0) =	vmax.scan.msk.u32 $0xffff, v37;
	v34, _, _ =	vpop (xrf0);
	v42 =	vadd.s32 v31, v26;
	v37 =	vadd.s32 s0, v31;
	s0 =	sxor.u32 $0x80000000, s2  }
.Ltmp8:
0x142: {  	v26 =	vmovc v35;
	v38 =	vxor.u32 $0x80000000, v34;
	vm1 =	vge.s32 v42, v9;
	v44 =	vadd.s32 s0, v37;
	s0 =	spop (v2sf);
	(pc) =	sbr.rel @p1 .LBB2_11-.Ltmp8, $4  }
0x143: {  	vm2 =	vmand vm0, vm2;
	v43 =	vadd.s32 v29, v37;
	v31 =	vld [tilespmem:s28+$0x10];
	v47, _, _ =	vpop (xrf0);
	(xrf0) =	vmax.scan.msk.u32 $0xffff, v38;
	v48 =	vadd.s32 v30, v44;
	s0 =	sxor.u32 $0x80000000, s0  }
0x144: {  	v37 =	vnsel vm2, $0x0, v12;
	v29 =	vmovc v45;
	v30 =	vmovc v34;
	v35 =	vld [tilespmem:s29+$0x10];
	(v2sf) =	vpush v47, $0xF;
	v38 =	vadd.s32 s0, v44  }
0x145: {  	v34 =	vsub.s32 v48, v16;
	v44 =	vnsel vm2, $0x0, v46;
	[tilespmem:s29+$0x10] =	vst v1;
	v45 =	vadd.s32 v41, v38;
	v12, _, _ =	vpop (xrf0)  }
0x146: {  	vm3 =	vge.s32 v48, v9;
	s29 =	sadd.s32 $0x40, s29;
	[tilespmem:s28+$0x10] =	vst v1;
	s28 =	sadd.s32 $0x40, s28;
	v41 =	vsub.s32 v45, v18;
	(v2sf) =	vpush v12, $0xF;
	v12 =	vmovc v40  }
0x147: {  	v40, _, _ =	vpop (xrf0)  }
0x148: {  	(v2sf) =	vpush v40, $0xF;
	_ =	sdelay $0x1  }
0x149: {  	v50 =	vsub.s32 v43, v17;
	v42 =	vsub.s32 v42, v14;
	vm4 =	vge.s32 v45, v9;
	v49, _, _ =	vpop (xrf0)  }
0x14a: {  	v20 =	vnsel vm2, $0x0, v20;
	vm5 =	vge.s32 v43, v9;
	(v2sf) =	vpush v49, $0xF  }
0x14b: {  	v25 =	vnsel vm2, $0x0, v25;
	vm9 =	vlt.s32 v34, v9;
	vm11 =	vlt.s32 v41, v9  }
0x14c: {  	v55 =	vadd.s32 v44, v33;
	s26 =	sadd.s32 $0x30, s24;
	vm0 =	vlt.s32 v42, v9;
	vm10 =	vlt.s32 v50, v9  }
0x14d: {  	s28 =	sadd.s32 $0x10, s25;
	s29 =	sadd.s32 $0x20, s25;
	v25 =	vadd.s32 v25, v36;
	v20 =	vadd.s32 v20, v39;
	v61 =	vor.u32 s26, v2  }
0x14e: {  	v62 =	vor.u32 s28, v2;
	v63 =	vor.u32 s29, v2;
	vm0 =	vmand vm1, vm0  }
0x14f: {  	vm2 =	vmand vm5, vm10;
	vm1 =	vmand vm3, vm9;
	vm3 =	vmand vm4, vm11  }
0x150: {  	(xrf0) =	vadd.scan.msk.s32 $0xffff, v35;
	v56 =	vnsel vm0, $0x0, v42;
	v57 =	vnsel vm0, $0x0, v14;
	v32 =	vnsel vm0, $0x0, v32  }
0x151: {  	v58 =	vnsel vm2, $0x0, v17;
	v59 =	vnsel vm2, $0x0, v50;
	v27 =	vnsel vm2, $0x0, v27  }
0x152: {  	v28 =	vnsel vm1, $0x0, v28;
	v16 =	vnsel vm1, $0x0, v16;
	v60 =	vnsel vm1, $0x0, v34  }
0x153: {  	v40 =	vnsel vm3, $0x0, v61;
	v25 =	vadd.s32 v25, v56;
	v14 =	vadd.s32 v20, v57;
	s0 =	spop (v2sf)  }
0x154: {  	v18 =	vnsel vm3, $0x0, v18;
	v20 =	vadd.s32 v59, v25;
	v14 =	vadd.s32 v58, v14;
	s1 =	spop (v2sf)  }
0x155: {  	v42 =	vnsel vm3, $0x0, v41;
	v39 =	vadd.s32 v60, v20;
	v14 =	vadd.s32 v16, v14;
	s1 =	sxor.u32 $0x80000000, s1  }
0x156: {  	v17 =	vadd.s32 v42, v39;
	v14 =	vadd.s32 v18, v14;
	v53, _, _ =	vpop (xrf0);
	s0 =	sxor.u32 $0x80000000, s0;
	s2 =	spop (v2sf);
	v38 =	vadd.s32 s1, v38  }
0x157: {  	v36 =	vxor.u32 $0x80000000, v53;
	v51 =	vadd.s32 s0, v38;
	s2 =	sxor.u32 $0x80000000, s2;
	v26 =	vadd.s32 v38, v26  }
0x158: {  	v52 =	vadd.s32 s2, v51;
	vm12 =	vge.s32 v26, v9;
	v29 =	vadd.s32 v29, v51  }
0x159: {  	s8 =	spop (v2sf);
	v26 =	vsub.s32 v26, v19;
	v30 =	vadd.s32 v30, v52;
	v46 =	vsub.s32 v29, v21  }
0x15a: {  	s0 =	sxor.u32 $0x80000000, s8;
	vm6 =	vlt.s32 v26, v9;
	vm7 =	vge.s32 v29, v9;
	v29 =	vadd.s32 v55, v32  }
0x15b: {  	v38 =	vadd.s32 s0, v52;
	v54 =	vsub.s32 v30, v22;
	vm13 =	vge.s32 v30, v9  }
0x15c: {  	vm6 =	vmand vm12, vm6;
	vm9 =	vlt.s32 v46, v9;
	v27 =	vadd.s32 v27, v29  }
0x15d: {  	v38 =	vadd.s32 v53, v38;
	vm14 =	vlt.s32 v54, v9;
	vm7 =	vmand vm7, vm9  }
0x15e: {  	v27 =	vadd.s32 v28, v27;
	v43 =	vnsel vm6, $0x0, v26;
	v44 =	vnsel vm6, $0x0, v19  }
0x15f: {  	v30 =	vsub.s32 v38, v35;
	vm8 =	vge.s32 v38, v9;
	vm5 =	vmand vm13, vm14  }
0x160: {  	v38 =	vor.u32 s25, v2;
	v16 =	vadd.s32 v40, v27;
	v17 =	vadd.s32 v17, v43  }
0x161: {  	v48 =	vnsel vm7, $0x0, v21;
	v49 =	vnsel vm7, $0x0, v62;
	v14 =	vadd.s32 v14, v44  }
0x162: {  	v51 =	vnsel vm7, $0x0, v46;
	vm10 =	vlt.s32 v30, v9;
	v47 =	vnsel vm6, $0x0, v38  }
0x163: {  	s30 =	sadd.s32 $0x30, s25;
	v50 =	vnsel vm5, $0x0, v63;
	v52 =	vnsel vm5, $0x0, v22;
	v17 =	vadd.s32 v51, v17  }
0x164: {  	v53 =	vnsel vm5, $0x0, v54;
	v54 =	vor.u32 s30, v2;
	v16 =	vadd.s32 v16, v47  }
0x165: {  	v14 =	vadd.s32 v48, v14;
	vm15 =	vmand vm8, vm10;
	v16 =	vadd.s32 v49, v16  }
0x166: {  	v17 =	vadd.s32 v53, v17;
	v55 =	vnsel vm15, $0x0, v54;
	v16 =	vadd.s32 v50, v16  }
0x167: {  	v14 =	vadd.s32 v52, v14;
	v56 =	vnsel vm15, $0x0, v30;
	v16 =	vadd.s32 v55, v16  }
0x168: {  	(xrf0) =	vmax.scan.msk.u32 $0xffff, v36;
	v57 =	vnsel vm15, $0x0, v35;
	v17 =	vadd.s32 v56, v17;
	v16 =	vxor.u32 $0x80000000, v16  }
0x169: {  	v14 =	vadd.s32 v57, v14;
	v58 =	vxor.u32 $0x80000000, v17;
	(xrf0) =	vmax.scan.msk.u32 $0xffff, v16  }
0x16a: {  	v14 =	vxor.u32 $0x80000000, v14;
	(xrf0) =	vmax.scan.msk.u32 $0xffff, v58  }
0x16b: {  	(xrf0) =	vmax.scan.msk.u32 $0xffff, v14;
	_ =	sdelay $0x2  }
0x16c: {  	v59, _, _ =	vpop (xrf0)  }
0x16d: {  	(v2sf) =	vpush v59, $0xF;
	v60, _, _ =	vpop (xrf0)  }
0x16e: {  	(v2sf) =	vpush v60, $0xF;
	v61, _, _ =	vpop (xrf0)  }
0x16f: {  	(v2sf) =	vpush v61, $0xF;
	v62, _, _ =	vpop (xrf0)  }
0x170: {  	(v2sf) =	vpush v62, $0xF;
	_ =	sdelay $0xb  }
0x171: {  	s31 =	spop (v2sf)  }
0x172: {  	v8 =	vnsel vm0, $0x0, v8;
	v63 =	vadd.s32 v37, v24;
	s24 =	spop (v2sf)  }
0x173: {  	v10 =	vnsel vm2, $0x0, v10;
	v8 =	vadd.s32 v63, v8;
	s25 =	spop (v2sf)  }
0x174: {  	v8 =	vadd.s32 v10, v8;
	v10 =	vnsel vm1, $0x0, v11;
	s0 =	spop (v2sf)  }
0x175: {  	v8 =	vadd.s32 v10, v8;
	v10 =	vnsel vm3, $0x0, v12;
	p1 =	sne.s32 s0, $0x80000001  }
.Ltmp9:
0x176: {  	v8 =	vadd.s32 v10, v8;
	v10 =	vnsel vm6, $0x0, v15;
	(pc) =	sbr.rel @!p1 .LBB2_21-.Ltmp9, $4  }
0x177: {  	v11 =	vnsel vm7, $0x0, v13;
	v8 =	vadd.s32 v8, v10  }
0x178: {  	v10 =	vnsel vm5, $0x0, v23;
	v8 =	vadd.s32 v11, v8  }
0x179: {  	v8 =	vadd.s32 v10, v8;
	v10 =	vnsel vm15, $0x0, v31;
	_ =	strace $0x9000004C  }
0x17a: {  	v8 =	vadd.s32 v10, v8;
	_ =	strace $0x8000004D  }
0x17b: {  	s0 =	sxor.u32 $0x80000000, s25  }
0x17c: {  	v8 =	vmov s0  }
0x17d: {  	s25 =	sxor.u32 $0x80000000, s24;
	s26 =	simm.s32 $0x40;
	s28 =	simm.s32 $0x0;
	v8 =	vsub.s32 v9, v8  }
.LBB2_14:
0x17e: {  	p1 =	seq.s32 s26, $0xFC0;
	[tilespmem:s28+$0x11800] =	vst v1;
	s0 =	smov.u32 s26;
	s26 =	sadd.s32 $0x40, s26  }
.Ltmp10:
0x17f: {  	[tilespmem:s28+$0x11C00] =	vst v1;
	(pc) =	sbr.rel @!p1 .LBB2_14-.Ltmp10, $2  }
0x180: {  	_ =	sdelay $0x2  }
0x181: {  	s28 =	sshra.s32 s0, $0x2  }
0x182: {  	[tilespmem:s28+$0x11800] =	vst v1  }
0x183: {  	[tilespmem:s28+$0x11C00] =	vst v1;
	v9 =	vmov s25;
	s25 =	simm.s32 $0x0;
	s26 =	simm.s32 $0x8020;
	s28 =	simm.s32 $0x0  }
.LBB2_16:
0x184: {  	v10 =	vld [tilespmem:s26+$0xFFFFFFE0];
	_ =	sdelay $0x4  }
0x185: {  	v11 =	vshrl.u32 v10, $0xA  }
0x186: {  	v12 =	vshrl.u32 v10, $0x15;
	v11 =	vand.u32 $0x7FF, v11  }
0x187: {  	vm0 =	veq.s32 v12, v7;
	vm1 =	veq.s32 v11, v9  }
0x188: {  	vm0 =	vmand vm0, vm1  }
0x189: {  	v10 =	vand.u32 $0x3FF, v10;
	_ =	sdelay $0x4  }
0x18a: {  	v11 =	vor.u32 s28, v2;
	[tilespmem:v10+s18+$0x0] =	vst.idx.add.s32.msk vm0, v0  }
0x18b: {  	[tilespmem:v10+s19+$0x0] =	vst.idx.add.s32.msk vm0, v11  }
0x18c: {  	v10 =	vld [tilespmem:s26+$0xFFFFFFF0];
	_ =	sdelay $0x4  }
0x18d: {  	v11 =	vshrl.u32 v10, $0xA  }
0x18e: {  	v61 =	vshrl.u32 v10, $0x15;
	v11 =	vand.u32 $0x7FF, v11  }
0x18f: {  	vm10 =	veq.s32 v61, v7;
	vm11 =	veq.s32 v11, v9  }
0x190: {  	vm0 =	vmand vm10, vm11  }
0x191: {  	v10 =	vand.u32 $0x3FF, v10;
	_ =	sdelay $0x3  }
0x192: {  	s0 =	sadd.s32 $0x10, s28  }
0x193: {  	v11 =	vor.u32 s0, v2;
	[tilespmem:v10+s18+$0x0] =	vst.idx.add.s32.msk vm0, v0  }
0x194: {  	[tilespmem:v10+s19+$0x0] =	vst.idx.add.s32.msk vm0, v11  }
0x195: {  	v10 =	vld [tilespmem:s26+$0x0];
	_ =	sdelay $0x4  }
0x196: {  	v11 =	vshrl.u32 v10, $0xA  }
0x197: {  	v62 =	vshrl.u32 v10, $0x15;
	v11 =	vand.u32 $0x7FF, v11  }
0x198: {  	vm12 =	veq.s32 v62, v7;
	vm13 =	veq.s32 v11, v9  }
0x199: {  	vm0 =	vmand vm12, vm13  }
0x19a: {  	v10 =	vand.u32 $0x3FF, v10;
	_ =	sdelay $0x3  }
0x19b: {  	s30 =	sadd.s32 $0x20, s28  }
0x19c: {  	v11 =	vor.u32 s30, v2;
	[tilespmem:v10+s18+$0x0] =	vst.idx.add.s32.msk vm0, v0  }
0x19d: {  	[tilespmem:v10+s19+$0x0] =	vst.idx.add.s32.msk vm0, v11  }
0x19e: {  	v10 =	vld [tilespmem:s26+$0x10];
	_ =	sdelay $0x4  }
0x19f: {  	v11 =	vshrl.u32 v10, $0xA  }
0x1a0: {  	v63 =	vshrl.u32 v10, $0x15;
	v11 =	vand.u32 $0x7FF, v11  }
0x1a1: {  	vm14 =	veq.s32 v63, v7;
	vm15 =	veq.s32 v11, v9  }
0x1a2: {  	vm0 =	vmand vm14, vm15  }
0x1a3: {  	v10 =	vand.u32 $0x3FF, v10  }
0x1a4: {  	p1 =	sne.s32 s28, $0x7FC0  }
.Ltmp11:
0x1a5: {  	_ = 	snop;
	(pc) =	sbr.rel @p1 .LBB2_16-.Ltmp11, $4  }
0x1a6: {  	_ = 	snop  }
0x1a7: {  	s31 =	sadd.s32 $0x30, s28  }
0x1a8: {  	v11 =	vor.u32 s31, v2;
	[tilespmem:v10+s18+$0x0] =	vst.idx.add.s32.msk vm0, v0  }
0x1a9: {  	s28 =	sadd.s32 $0x40, s28;
	s26 =	sadd.s32 $0x40, s26;
	[tilespmem:v10+s19+$0x0] =	vst.idx.add.s32.msk vm0, v11  }
0x1aa: {  	s0 =	simm.s32 $0x11820  }
0x1ab: {  	v14 =	vld [tilespmem:s0+$0xFFFFFFE0]  }
0x1ac: {  	v28 =	vld [tilespmem:s0+$0xFFFFFFF0]  }
0x1ad: {  	v9 =	vld [tilespmem:s0+$0x0]  }
0x1ae: {  	v10 =	vld [tilespmem:s0+$0x10];
	_ =	sdelay $0x1  }
0x1af: {  	(xrf0) =	vadd.scan.msk.s32 $0xffff, v14  }
0x1b0: {  	(xrf0) =	vadd.scan.msk.s32 $0xffff, v28  }
0x1b1: {  	(xrf0) =	vadd.scan.msk.s32 $0xffff, v9  }
0x1b2: {  	(xrf0) =	vadd.scan.msk.s32 $0xffff, v10;
	_ =	sdelay $0x2  }
0x1b3: {  	v15, _, _ =	vpop (xrf0)  }
0x1b4: {  	v7 =	vxor.u32 $0x80000000, v15;
	v16, _, _ =	vpop (xrf0)  }
0x1b5: {  	v11 =	vxor.u32 $0x80000000, v16;
	(xrf0) =	vmax.scan.msk.u32 $0xffff, v7;
	v19, _, _ =	vpop (xrf0)  }
0x1b6: {  	v7 =	vxor.u32 $0x80000000, v19;
	(xrf0) =	vmax.scan.msk.u32 $0xffff, v11;
	v29, _, _ =	vpop (xrf0)  }
0x1b7: {  	v11 =	vxor.u32 $0x80000000, v29;
	(xrf0) =	vmax.scan.msk.u32 $0xffff, v7  }
0x1b8: {  	(xrf0) =	vmax.scan.msk.u32 $0xffff, v11;
	_ =	sdelay $0x2  }
0x1b9: {  	v7, _, _ =	vpop (xrf0)  }
0x1ba: {  	(v2sf) =	vpush v7, $0xF;
	v7, _, _ =	vpop (xrf0)  }
0x1bb: {  	(v2sf) =	vpush v7, $0xF;
	v7, _, _ =	vpop (xrf0)  }
0x1bc: {  	(v2sf) =	vpush v7, $0xF;
	v7, _, _ =	vpop (xrf0)  }
0x1bd: {  	s1 =	simm.s32 $0x11860;
	(v2sf) =	vpush v7, $0xF  }
0x1be: {  	v13 =	vld [tilespmem:s1+$0xFFFFFFE0]  }
0x1bf: {  	v11 =	vld [tilespmem:s1+$0xFFFFFFF0]  }
0x1c0: {  	v12 =	vld [tilespmem:s1+$0x0]  }
0x1c1: {  	v7 =	vld [tilespmem:s1+$0x10]  }
0x1c2: {  	v21 =	vimm.s32 $0x0;
	s26 =	simm.s32 $0x11C20  }
0x1c3: {  	v18 =	vld [tilespmem:s26+$0xFFFFFFE0];
	v15 =	vadd.s32 v21, v15;
	(xrf0) =	vadd.scan.msk.s32 $0xffff, v13  }
0x1c4: {  	v17 =	vsub.s32 v15, v14;
	(xrf0) =	vadd.scan.msk.s32 $0xffff, v11  }
0x1c5: {  	vm0 =	vge.s32 v15, v8;
	vm1 =	vlt.s32 v17, v8;
	(xrf0) =	vadd.scan.msk.s32 $0xffff, v12  }
0x1c6: {  	s8 =	simm.s32 $0x30;
	vm0 =	vmand vm0, vm1;
	(xrf0) =	vadd.scan.msk.s32 $0xffff, v7  }
0x1c7: {  	v23 =	vor.u32 s25, v2;
	v15 =	vor.u32 s8, v2;
	v14 =	vnsel vm0, $0x0, v14  }
0x1c8: {  	s2 =	simm.s32 $0x20;
	v22 =	vnsel vm0, $0x0, v17;
	v23 =	vnsel vm0, $0x0, v23;
	v25 =	vnsel vm0, $0x0, v18  }
0x1c9: {  	v20 =	vadd.s32 v21, v14;
	v14 =	vor.u32 s2, v2;
	v23 =	vadd.s32 v21, v23;
	s1 =	simm.s32 $0x10;
	v31, _, _ =	vpop (xrf0);
	s25 =	spop (v2sf)  }
0x1ca: {  	v22 =	vadd.s32 v21, v22;
	v27 =	vor.u32 s1, v2;
	v24 =	vxor.u32 $0x80000000, v31;
	v17, _, _ =	vpop (xrf0);
	s0 =	sxor.u32 $0x80000000, s25;
	s31 =	spop (v2sf)  }
0x1cb: {  	v26 =	vxor.u32 $0x80000000, v17;
	v18, _, _ =	vpop (xrf0);
	(xrf0) =	vmax.scan.msk.u32 $0xffff, v24;
	v24 =	vadd.s32 v21, v25;
	v21 =	vadd.s32 s0, v21;
	s1 =	sxor.u32 $0x80000000, s31;
	s2 =	spop (v2sf)  }
0x1cc: {  	v25 =	vxor.u32 $0x80000000, v18;
	(xrf0) =	vmax.scan.msk.u32 $0xffff, v26;
	v30, _, _ =	vpop (xrf0);
	v16 =	vadd.s32 v16, v21;
	v21 =	vadd.s32 s1, v21;
	s8 =	sxor.u32 $0x80000000, s2;
	s25 =	spop (v2sf)  }
0x1cd: {  	(xrf0) =	vmax.scan.msk.u32 $0xffff, v25;
	v26 =	vxor.u32 $0x80000000, v30;
	v36 =	vadd.s32 s8, v21;
	s31 =	sxor.u32 $0x80000000, s25  }
0x1ce: {  	(xrf0) =	vmax.scan.msk.u32 $0xffff, v26;
	v26 =	vadd.s32 s31, v36  }
0x1cf: {  	v31 =	vadd.s32 v26, v31  }
0x1d0: {  	v32 =	vsub.s32 v16, v28;
	v33 =	vadd.s32 v19, v21;
	vm2 =	vge.s32 v16, v8  }
0x1d1: {  	vm0 =	vlt.s32 v32, v8;
	v25 =	vsub.s32 v33, v9;
	vm3 =	vge.s32 v33, v8  }
0x1d2: {  	v35 =	vld [tilespmem:s26+$0xFFFFFFF0];
	v36 =	vadd.s32 v29, v36;
	v19 =	vsub.s32 v31, v13;
	vm4 =	vge.s32 v31, v8;
	v31, _, _ =	vpop (xrf0)  }
0x1d3: {  	s28 =	simm.s32 $0x11C60;
	v21 =	vld [tilespmem:s26+$0x0];
	vm1 =	vlt.s32 v25, v8;
	vm2 =	vmand vm2, vm0;
	(v2sf) =	vpush v31, $0xF;
	v31, _, _ =	vpop (xrf0)  }
0x1d4: {  	s29 =	simm.s32 $0x80;
	v16 =	vld [tilespmem:s28+$0x0];
	v34 =	vnsel vm2, $0x0, v28;
	vm0 =	vlt.s32 v19, v8;
	(v2sf) =	vpush v31, $0xF;
	v63, _, _ =	vpop (xrf0)  }
0x1d5: {  	s30 =	simm.s32 $0x118A0;
	s25 =	simm.s32 $0x40;
	v33 =	vld [tilespmem:s26+$0x10];
	s26 =	simm.s32 $0x11C60;
	vm0 =	vmand vm4, vm0;
	v31 =	vnsel vm2, $0x0, v32;
	(v2sf) =	vpush v63, $0xF;
	v32, _, _ =	vpop (xrf0)  }
.LBB2_18:
0x1d6: {  	v37 =	vld [tilespmem:s30+$0xFFFFFFE0];
	p1 =	sne.s32 s29, $0x3C0;
	(v2sf) =	vpush v32, $0xF;
	v27 =	vnsel vm2, $0x0, v27;
	v22 =	vadd.s32 v31, v22;
	v29 =	vmovc v11;
	v28 =	vmovc v30;
	s31 =	smov.u32 s29;
	s29 =	sadd.s32 $0x40, s29  }
0x1d7: {  	v30 =	vnsel vm0, $0x0, v13;
	v13 =	vadd.s32 v34, v20;
	vm1 =	vmand vm3, vm1;
	v11 =	vld [tilespmem:s30+$0xFFFFFFF0]  }
0x1d8: {  	v32 =	vsub.s32 v36, v10;
	v25 =	vnsel vm1, $0x0, v25;
	v20 =	vld [tilespmem:s30+$0x0];
	v31 =	vnsel vm2, $0x0, v35  }
0x1d9: {  	s28 =	sadd.s32 $0x40, s28;
	vm3 =	vlt.s32 v32, v8;
	v35 =	vnsel vm1, $0x0, v9;
	vm2 =	vge.s32 v36, v8;
	v9 =	vmovc v12;
	v34 =	vld [tilespmem:s30+$0x10]  }
0x1da: {  	v23 =	vadd.s32 v27, v23;
	v22 =	vadd.s32 v25, v22;
	v12 =	vadd.s32 v31, v24;
	v36 =	vld [tilespmem:s28+$0x0]  }
0x1db: {  	v24 =	vadd.s32 v35, v13;
	v31 =	vnsel vm1, $0x0, v21;
	vm2 =	vmand vm2, vm3;
	(xrf0) =	vadd.scan.msk.s32 $0xffff, v37;
	v13 =	vmovc v37  }
0x1dc: {  	v21 =	vmovc v16;
	v25 =	vadd.s32 v31, v12;
	v15 =	vnsel vm2, $0x0, v15;
	v27 =	vnsel vm2, $0x0, v32;
	(xrf0) =	vadd.scan.msk.s32 $0xffff, v11  }
0x1dd: {  	v14 =	vnsel vm1, $0x0, v14;
	v32 =	vnsel vm2, $0x0, v10;
	v16 =	vnsel vm2, $0x0, v33;
	(xrf0) =	vadd.scan.msk.s32 $0xffff, v20;
	v31 =	vld [tilespmem:s26+$0xFFFFFFE0];
	v12 =	vmovc v20  }
0x1de: {  	v14 =	vadd.s32 v14, v23;
	v22 =	vadd.s32 v27, v22;
	v27 =	vadd.s32 v32, v24;
	(xrf0) =	vadd.scan.msk.s32 $0xffff, v34  }
0x1df: {  	s0 =	sadd.s32 $0x20, s25;
	v10 =	vmovc v7;
	v23 =	vadd.s32 v15, v14;
	v24 =	vadd.s32 v16, v25;
	v20 =	vadd.s32 v27, v30  }
0x1e0: {  	v19 =	vnsel vm0, $0x0, v19;
	s1 =	sadd.s32 $0x10, s25;
	v14 =	vor.u32 s0, v2;
	s0 =	sadd.s32 $0x30, s25;
	v7 =	vmovc v34;
	v16 =	vmov v36  }
0x1e1: {  	v25 =	vor.u32 s25, v2;
	s25 =	smov.u32 s31;
	v15 =	vor.u32 s0, v2;
	v27 =	vor.u32 s1, v2;
	v32, _, _ =	vpop (xrf0)  }
0x1e2: {  	v25 =	vnsel vm0, $0x0, v25;
	v36 =	vxor.u32 $0x80000000, v32;
	v33, _, _ =	vpop (xrf0);
	v31 =	vnsel vm0, $0x0, v31;
	s0 =	spop (v2sf)  }
0x1e3: {  	v23 =	vadd.s32 v23, v25;
	v34 =	vxor.u32 $0x80000000, v33;
	(xrf0) =	vmax.scan.msk.u32 $0xffff, v36;
	v35, _, _ =	vpop (xrf0);
	v24 =	vadd.s32 v24, v31;
	s0 =	sxor.u32 $0x80000000, s0;
	s1 =	spop (v2sf)  }
0x1e4: {  	v22 =	vadd.s32 v22, v19;
	v25 =	vxor.u32 $0x80000000, v35;
	(xrf0) =	vmax.scan.msk.u32 $0xffff, v34;
	v30, _, _ =	vpop (xrf0);
	v19 =	vadd.s32 s0, v26;
	s0 =	sxor.u32 $0x80000000, s1;
	s1 =	spop (v2sf)  }
0x1e5: {  	v26 =	vxor.u32 $0x80000000, v30;
	(xrf0) =	vmax.scan.msk.u32 $0xffff, v25;
	v31 =	vadd.s32 v17, v19;
	v19 =	vadd.s32 s0, v19;
	s0 =	sxor.u32 $0x80000000, s1;
	s1 =	spop (v2sf);
	v17 =	vmovc v33  }
0x1e6: {  	(xrf0) =	vmax.scan.msk.u32 $0xffff, v26;
	v33 =	vsub.s32 v31, v29;
	v34 =	vadd.s32 v18, v19;
	v36 =	vadd.s32 s0, v19;
	s0 =	sxor.u32 $0x80000000, s1;
	v18 =	vmovc v35  }
0x1e7: {  	vm0 =	vlt.s32 v33, v8;
	v25 =	vsub.s32 v34, v9;
	v26 =	vadd.s32 s0, v36  }
.Ltmp12:
0x1e8: {  	vm2 =	vge.s32 v31, v8;
	v32 =	vadd.s32 v26, v32;
	vm1 =	vlt.s32 v25, v8;
	(pc) =	sbr.rel @p1 .LBB2_18-.Ltmp12, $4  }
0x1e9: {  	vm2 =	vmand vm2, vm0;
	v19 =	vsub.s32 v32, v13;
	vm4 =	vge.s32 v32, v8;
	v31, _, _ =	vpop (xrf0)  }
0x1ea: {  	vm3 =	vge.s32 v34, v8;
	vm0 =	vlt.s32 v19, v8;
	(v2sf) =	vpush v31, $0xF;
	v31, _, _ =	vpop (xrf0);
	v35 =	vld [tilespmem:s26+$0xFFFFFFF0]  }
0x1eb: {  	vm0 =	vmand vm4, vm0;
	(v2sf) =	vpush v31, $0xF;
	v32, _, _ =	vpop (xrf0);
	v31 =	vnsel vm2, $0x0, v33  }
0x1ec: {  	s30 =	sadd.s32 $0x40, s30;
	v36 =	vadd.s32 v28, v36;
	v34 =	vnsel vm2, $0x0, v29;
	(v2sf) =	vpush v32, $0xF;
	v32, _, _ =	vpop (xrf0);
	v33 =	vld [tilespmem:s26+$0x10];
	s26 =	smov.u32 s28  }
0x1ed: {  	_ =	sdelay $0x3  }
0x1ee: {  	v27 =	vnsel vm2, $0x0, v27  }
0x1ef: {  	vm1 =	vmand vm3, vm1;
	vm10 =	vge.s32 v36, v8;
	v29 =	vsub.s32 v36, v10  }
0x1f0: {  	v20 =	vadd.s32 v34, v20;
	v13 =	vnsel vm0, $0x0, v13;
	v55 =	vor.u32 s25, v2  }
0x1f1: {  	s8 =	sadd.s32 $0x20, s25;
	vm11 =	vlt.s32 v29, v8;
	v9 =	vnsel vm1, $0x0, v9;
	v21 =	vnsel vm1, $0x0, v21  }
0x1f2: {  	s28 =	sadd.s32 $0x10, s25;
	s29 =	sadd.s32 $0x30, s25;
	v23 =	vadd.s32 v27, v23;
	v14 =	vnsel vm1, $0x0, v14;
	v54 =	vor.u32 s8, v2  }
0x1f3: {  	v50 =	vld [tilespmem:s26+$0xFFFFFFE0];
	v56 =	vor.u32 s28, v2;
	v57 =	vor.u32 s29, v2;
	v28 =	vnsel vm2, $0x0, v35  }
0x1f4: {  	vm5 =	vmand vm10, vm11;
	v9 =	vadd.s32 v9, v20;
	v14 =	vadd.s32 v14, v23  }
0x1f5: {  	v20 =	vnsel vm0, $0x0, v55;
	v24 =	vadd.s32 v28, v24;
	v10 =	vnsel vm5, $0x0, v10  }
0x1f6: {  	v15 =	vnsel vm5, $0x0, v15;
	v49 =	vadd.s32 v21, v24;
	v9 =	vadd.s32 v10, v9;
	s0 =	spop (v2sf)  }
0x1f7: {  	v51 =	vnsel vm5, $0x0, v33;
	v52 =	vadd.s32 v15, v14;
	v9 =	vadd.s32 v9, v13;
	s0 =	sxor.u32 $0x80000000, s0;
	s1 =	spop (v2sf)  }
0x1f8: {  	v53 =	vadd.s32 v51, v49;
	v21 =	vnsel vm0, $0x0, v50;
	v26 =	vadd.s32 s0, v26;
	s30 =	sxor.u32 $0x80000000, s1;
	s31 =	spop (v2sf)  }
0x1f9: {  	v13 =	vadd.s32 v52, v20;
	v17 =	vadd.s32 v17, v26;
	v26 =	vadd.s32 s30, v26;
	s2 =	sxor.u32 $0x80000000, s31  }
0x1fa: {  	v14 =	vadd.s32 v53, v21;
	v18 =	vadd.s32 v18, v26;
	v26 =	vadd.s32 s2, v26  }
0x1fb: {  	vm4 =	vge.s32 v17, v8;
	v17 =	vsub.s32 v17, v11;
	v26 =	vadd.s32 v30, v26  }
0x1fc: {  	v47 =	vsub.s32 v18, v12;
	vm12 =	vlt.s32 v17, v8;
	vm14 =	vge.s32 v18, v8  }
0x1fd: {  	vm13 =	vlt.s32 v47, v8;
	vm4 =	vmand vm4, vm12;
	v48 =	vsub.s32 v26, v7  }
0x1fe: {  	v10 =	vld [tilespmem:s26+$0xFFFFFFF0];
	vm15 =	vge.s32 v26, v8;
	vm3 =	vmand vm14, vm13;
	vm6 =	vlt.s32 v48, v8  }
0x1ff: {  	v11 =	vnsel vm4, $0x0, v11;
	v59 =	vnsel vm4, $0x0, v56;
	vm2 =	vmand vm15, vm6  }
0x200: {  	v58 =	vld [tilespmem:s26+$0x10];
	v9 =	vadd.s32 v11, v9;
	v60 =	vadd.s32 v59, v13;
	v61 =	vnsel vm3, $0x0, v54  }
0x201: {  	v11 =	vnsel vm3, $0x0, v12;
	v62 =	vnsel vm2, $0x0, v57;
	v12 =	vadd.s32 v61, v60  }
0x202: {  	v9 =	vadd.s32 v11, v9;
	v7 =	vnsel vm2, $0x0, v7;
	v11 =	vadd.s32 v62, v12  }
0x203: {  	v10 =	vnsel vm4, $0x0, v10;
	v7 =	vadd.s32 v7, v9;
	v9 =	vxor.u32 $0x80000000, v11  }
0x204: {  	v10 =	vadd.s32 v10, v14;
	v63 =	vnsel vm3, $0x0, v16;
	v7 =	vxor.u32 $0x80000000, v7;
	(xrf0) =	vmax.scan.msk.u32 $0xffff, v9  }
0x205: {  	v10 =	vadd.s32 v63, v10;
	v11 =	vnsel vm2, $0x0, v58;
	(xrf0) =	vmax.scan.msk.u32 $0xffff, v7  }
0x206: {  	v9 =	vadd.s32 v11, v10  }
0x207: {  	v7 =	vxor.u32 $0x80000000, v9;
	_ =	sdelay $0x2  }
0x208: {  	(v2sf) =	vpush v32, $0xF;
	(xrf0) =	vmax.scan.msk.u32 $0xffff, v7;
	v7, _, _ =	vpop (xrf0)  }
0x209: {  	v9, _, _ =	vpop (xrf0);
	(v2sf) =	vpush v7, $0xF  }
0x20a: {  	(v2sf) =	vpush v9, $0xF;
	_ =	sdelay $0x4  }
0x20b: {  	v7, _, _ =	vpop (xrf0)  }
0x20c: {  	(v2sf) =	vpush v7, $0xF;
	_ =	sdelay $0x6  }
0x20d: {  	s30 =	spop (v2sf)  }
0x20e: {  	s0 =	spop (v2sf)  }
0x20f: {  	v9 =	vadd.s32 v31, v22;
	v7 =	vnsel vm1, $0x0, v25;
	s8 =	spop (v2sf)  }
0x210: {  	v10 =	vnsel vm5, $0x0, v29;
	v7 =	vadd.s32 v7, v9;
	p1 =	seq.s32 s8, $0x80000001  }
.Ltmp13:
0x211: {  	v9 =	vnsel vm0, $0x0, v19;
	v7 =	vadd.s32 v10, v7;
	(pc) =	sbr.rel @!p1 .LBB2_22-.Ltmp13, $4  }
0x212: {  	s31 =	sshll.u32 s23, $0x15;
	s2 =	sshll.u32 s24, $0xA;
	v7 =	vadd.s32 v7, v9;
	v9 =	vnsel vm4, $0x0, v17  }
0x213: {  	s1 =	sor.u32 s31, s2;
	v7 =	vadd.s32 v9, v7;
	v9 =	vnsel vm3, $0x0, v47;
	s0 =	sxor.u32 $0x80000000, s0  }
0x214: {  	v7 =	vadd.s32 v9, v7;
	v9 =	vnsel vm2, $0x0, v48;
	s0 =	sor.u32 s0, s1  }
0x215: {  	v9 =	vadd.s32 v9, v7;
	s23 =	spop (v2sf);
	v7 =	vmov s0  }
.Ltmp14:
0x216: {  	(pc) =	sbr.rel .LBB2_25-.Ltmp14, $2  }
0x217: {  	_ =	sdelay $0x2  }
0x218: {  	s23 =	sxor.u32 $0x80000000, s23  }
.LBB2_22:
0x219: {  	v9 =	vxor.u32 $0x80000000, v9  }
0x21a: {  	(xrf0) =	vmax.scan.msk.u32 $0xffff, v9;
	_ =	sdelay $0x5  }
0x21b: {  	v9, _, _ =	vpop (xrf0)  }
0x21c: {  	(v2sf) =	vpush v9, $0xF  }
0x21d: {  	s0 =	simm.s32 $0x8000  }
0x21e: {  	v9 =	vld [tilespmem:s0+$0x0];
	_ =	sdelay $0x4  }
0x21f: {  	vm0 =	veq.s32 v9, v7  }
0x220: {  	v9 =	vsel vm0, $0x1, v1  }
0x221: {  	s29 =	simm.s32 $0x8010;
	(xrf0) =	vadd.scan.msk.s32 $0xffff, v9  }
0x222: {  	v11 =	vld [tilespmem:s29+$0x0];
	_ =	sdelay $0x3  }
0x223: {  	s1 =	simm.s32 $0x8020  }
0x224: {  	v10 =	vimm.s32 $0x0;
	v12 =	vld [tilespmem:s1+$0x0];
	vm1 =	veq.s32 v11, v7;
	v13, _, _ =	vpop (xrf0);
	s30 =	spop (v2sf)  }
0x225: {  	v11 =	vadd.s32 v10, v13;
	v13 =	vsel vm1, $0x1, v1;
	s0 =	sxor.u32 $0x80000000, s30  }
0x226: {  	(xrf0) =	vadd.scan.msk.s32 $0xffff, v13;
	v9 =	vmov s0  }
0x227: {  	vm0 =	vmmov vm0;
	v8 =	vsub.s32 v8, v9  }
0x228: {  	s31 =	simm.s32 $0x0;
	vm2 =	vmmov vm0;
	vm0 =	vmmov vm1;
	vm3 =	veq.s32 v11, v8  }
0x229: {  	s24 =	simm.s32 $0x10;
	vm1 =	veq.s32 v12, v7;
	v11 =	vor.u32 s31, v2;
	vm3 =	vmand vm2, vm3  }
0x22a: {  	s23 =	simm.s32 $0x20;
	s25 =	simm.s32 $0x30;
	s26 =	simm.s32 $0x8030;
	v12 =	vmpcnt.ones.xlane vm2;
	v9 =	vimm.s32 $0xFFFFFFFF;
	v11 =	vnsel vm3, $0xFFFFFFFF, v11  }
.LBB2_23:
0x22b: {  	v13 =	vld [tilespmem:s26+$0x0];
	p1 =	sne.s32 s25, $0x7FF0;
	v15 =	vsel vm1, $0x1, v1;
	vm2 =	vgt.s32 v9, v11;
	vm3 =	vmmov vm0;
	s0 =	smov.u32 s25;
	s25 =	sadd.s32 $0x10, s25  }
.Ltmp15:
0x22c: {  	vm0 =	vmmov vm1;
	(xrf0) =	vadd.scan.msk.s32 $0xffff, v15;
	v14, _, _ =	vpop (xrf0);
	v9 =	vsel vm2, v9, v11;
	v10 =	vadd.s32 v10, v12;
	(pc) =	sbr.rel @p1 .LBB2_23-.Ltmp15, $4  }
0x22d: {  	v11 =	vadd.s32 v10, v14  }
0x22e: {  	vm1 =	veq.s32 v11, v8  }
0x22f: {  	v11 =	vor.u32 s24, v2;
	s24 =	smov.u32 s23;
	s23 =	smov.u32 s0;
	vm2 =	vmand vm3, vm1  }
0x230: {  	s26 =	sadd.s32 $0x10, s26;
	v12 =	vmpcnt.ones.xlane vm3;
	vm1 =	veq.s32 v13, v7;
	v11 =	vnsel vm2, $0xFFFFFFFF, v11  }
0x231: {  	v13 =	vsel vm1, $0x1, v1  }
0x232: {  	(xrf0) =	vadd.scan.msk.s32 $0xffff, v13;
	_ =	sdelay $0x2  }
0x233: {  	vm0 =	vmmov vm0  }
0x234: {  	v58, _, _ =	vpop (xrf0);
	v10 =	vadd.s32 v10, v12;
	v59 =	vmpcnt.ones.xlane vm0  }
0x235: {  	vm2 =	vgt.s32 v9, v11;
	vm11 =	vmmov vm1;
	v60 =	vadd.s32 v10, v58  }
0x236: {  	v62 =	vor.u32 s24, v2;
	vm12 =	veq.s32 v60, v8;
	v10 =	vadd.s32 v10, v59;
	v61, _, _ =	vpop (xrf0)  }
0x237: {  	v9 =	vsel vm2, v9, v11;
	vm0 =	vmand vm0, vm12;
	v10 =	vadd.s32 v10, v61  }
0x238: {  	vm13 =	vmmov vm11;
	v63 =	vnsel vm0, $0xFFFFFFFF, v62;
	vm14 =	veq.s32 v10, v8  }
0x239: {  	vm15 =	vgt.s32 v9, v63;
	v8 =	vor.u32 s23, v2;
	vm0 =	vmand vm13, vm14  }
0x23a: {  	v9 =	vsel vm15, v9, v63;
	v8 =	vnsel vm0, $0xFFFFFFFF, v8  }
0x23b: {  	vm0 =	vgt.s32 v9, v8  }
0x23c: {  	v8 =	vsel vm0, v9, v8  }
0x23d: {  	v8 =	vxor.u32 $0x80000000, v8  }
0x23e: {  	(xrf0) =	vmax.scan.msk.u32 $0xffff, v8;
	_ =	sdelay $0x5  }
0x23f: {  	v8, _, _ =	vpop (xrf0)  }
0x240: {  	(v2sf) =	vpush v8, $0xF;
	_ =	sdelay $0xb  }
.Ltmp16:
0x241: {  	_ = 	snop;
	(pc) =	sbr.rel .LBB2_25-.Ltmp16, $3  }
0x242: {  	_ =	sdelay $0x1  }
0x243: {  	s0 =	spop (v2sf)  }
0x244: {  	s23 =	sxor.u32 $0x80000000, s0  }
.LBB2_27:
0x245: {  	_ =	sfence.sel $0x180000  }
0x246: {  	[bflag:$0x0] =	sbarrier.arrive $0xFFFF  }
0x247: {  	_ =	strace $0x90000047  }
0x248: {  	s0 =	stileid.u32;
	[bflag:$0x2] =	sbarrier.arrive $0xFFFF  }
0x249: {  	p0 =	sne.s32 s0, $0x0;
	s0 =	rddreg [dreg:$0x3]  }
0x24a: {  	s0 =	sadd.s32 @!p0 $0x100000, s0  }
0x24b: {  	[sflag:s0] =	ssyncadd.tile.s32 @!p0 $0x1;
	_ =	shalt  }
.Lfunc_end2:
_tile_overlayer_lowered:
.L_overlay_start_2:
0x24c: {  	(tag) =	ssettag $0x2  }
0x24d: {  	s0 =	rddreg [dreg:$0x0];
	s2 =	stileid.u32  }
0x24e: {  	s1 =	rddreg [dreg:$0x1];
	p0 =	sne.s32 s2, $0x0  }
0x24f: {  	s3 =	rddreg [dreg:$0x2];
	[bflag:$0x3] =	sbarrier.arrive $0xFFFF;
	s2 =	simm.s32 @!p0 $0x1C01  }
0x250: {  	[timem:s3], [sflag:s2] =	dma.local @!p0 [hbm:s0], s1  }
0x251: {  	s0 =	simm.s32 @!p0 $0x1  }
0x252: {  	_ =	swait.ge @!p0 [sflag:s0], s1  }
0x253: {  	s1 =	ssub.s32 @!p0 $0x0, s1;
	[sflag:s0] =	ssyncset.done @!p0 $0x0  }
0x254: {  	[sflag:s0] =	ssyncadd.s32 @!p0 s1  }
0x255: {  	[bflag:$0x3] =	sbarrier.arrive $0xFFFF  }
0x256: {  	_ =	shalt  }

</sc_bundles>
